<compile_context>
chip_gen: v7x
topology: tpu7x:2x2x1
jax: 0.10.2.dev20260603
libtpu: 0.0.44.dev20260713+nightly
codegen_flags: <defaults>
</compile_context>

<pallas_src>
import math
import functools

import jax
import jax.numpy as jnp
from jax import lax
from jax.experimental import pallas as pl
from jax.experimental.pallas import tpu as pltpu
from jax.experimental.pallas import tpu_sc as plsc

N = 10000
NP = 10240
PAD = NP - N
D = 128
E = 160000
CH = 128
CHUNKS = 80
EP = 16 * CH * CHUNKS
ET = CH * CHUNKS
BLK = 1024
GB = NP // BLK
E2 = math.exp(2.0)
INVT = 2.0

def _mesh():
    return plsc.VectorSubcoreMesh(core_axis_name="c", subcore_axis_name="s")


def _sc_deg_body(dst_hbm, zn_hbm, degp_hbm, dst_v, deg_v):
    c = lax.axis_index("c")
    s = lax.axis_index("s")
    wid = c * 16 + s
    pltpu.sync_copy(dst_hbm.at[pl.ds(wid * ET, ET)], dst_v)
    pltpu.sync_copy(zn_hbm, deg_v)
    ones = jnp.full((16,), 1.0, jnp.float32)

    def body(k, carry):
        base = k * 16
        idx = dst_v[pl.ds(base, 16)]
        plsc.addupdate_scatter(deg_v, [idx], ones)
        return carry

    lax.fori_loop(0, ET // 16, body, 0)
    pltpu.sync_copy(deg_v, degp_hbm.at[wid])


def _sc_deg(dst1d, znodes):
    k = pl.kernel(
        _sc_deg_body,
        mesh=_mesh(),
        out_type=jax.ShapeDtypeStruct((32, NP), jnp.float32),
        scratch_types=[
            pltpu.VMEM((ET,), jnp.int32),
            pltpu.VMEM((NP,), jnp.float32),
        ],
        compiler_params=pltpu.CompilerParams(needs_layout_passes=False),
    )
    return k(dst1d, znodes)


def _sc_scatter_body(g_hbm, src_hbm, dst_hbm, zr_hbm, acc_hbm,
                     src_v, dst_v, rows0, rows1, acc_s, sem0, sem1):
    c = lax.axis_index("c")
    s = lax.axis_index("s")
    wid = c * 16 + s
    rows_per_tile = NP // 16
    pltpu.sync_copy(zr_hbm, acc_s.at[pl.ds(s * rows_per_tile, rows_per_tile)])
    plsc.subcore_barrier()

    hc = CHUNKS // 2
    he = ET // 2

    def fire(j, buf, sem):
        pltpu.async_copy(g_hbm.at[src_v.at[pl.ds(j * CH, CH)]], buf, sem)

    def drain(buf, sem):
        pltpu.make_async_copy(g_hbm.at[pl.ds(0, CH)], buf, sem).wait()

    for p in range(2):
        pltpu.sync_copy(src_hbm.at[pl.ds(wid * ET + p * he, he)], src_v)
        pltpu.sync_copy(dst_hbm.at[pl.ds(wid * CHUNKS + p * hc, hc)], dst_v)
        fire(0, rows0, sem0)

        def body(t, carry):
            c0 = 2 * t
            fire(c0 + 1, rows1, sem1)
            drain(rows0, sem0)
            pltpu.sync_copy(rows0, acc_s.at[dst_v.at[c0]], add=True)

            @pl.when(c0 + 2 < hc)
            def _():
                fire(c0 + 2, rows0, sem0)

            drain(rows1, sem1)
            pltpu.sync_copy(rows1, acc_s.at[dst_v.at[c0 + 1]], add=True)
            return carry

        lax.fori_loop(0, hc // 2, body, 0)
    plsc.subcore_barrier()
    pltpu.sync_copy(acc_s.at[pl.ds(s * rows_per_tile, rows_per_tile)],
                    acc_hbm.at[pl.ds(c * NP + s * rows_per_tile, rows_per_tile)])


def _sc_scatter(g_flat, src1d, dst2d, zrows):
    k = pl.kernel(
        _sc_scatter_body,
        mesh=_mesh(),
        out_type=jax.ShapeDtypeStruct((2 * NP, D), jnp.float32),
        scratch_types=[
            pltpu.VMEM((ET // 2,), jnp.int32),
            pltpu.VMEM((CHUNKS // 2, CH), jnp.int32),
            pltpu.VMEM((CH, D), jnp.float32),
            pltpu.VMEM((CH, D), jnp.float32),
            pltpu.VMEM_SHARED((NP, D), jnp.float32),
            pltpu.SemaphoreType.DMA,
            pltpu.SemaphoreType.DMA,
        ],
        compiler_params=pltpu.CompilerParams(needs_layout_passes=False),
    )
    return k(g_flat, src1d, dst2d, zrows)


def _prep_body(feat_ref, w_ref, degp_ref, h_ref, g_ref):
    x = feat_ref[0]
    w = w_ref[...]
    deg = jnp.sum(degp_ref[0], axis=1, keepdims=True) + 1.0
    dinv = lax.rsqrt(deg)
    h = jnp.dot(x, w, preferred_element_type=jnp.float32)
    h_ref[0] = h
    g_ref[0] = h * dinv


def _tc_prep(featp, W_gcn, degp_pad):
    return pl.pallas_call(
        _prep_body,
        grid=(2, GB),
        in_specs=[
            pl.BlockSpec((1, BLK, D), lambda c, r: (c, r, 0)),
            pl.BlockSpec((D, D), lambda c, r: (0, 0)),
            pl.BlockSpec((1, BLK, D), lambda c, r: (c, r, 0)),
        ],
        out_specs=[
            pl.BlockSpec((1, BLK, D), lambda c, r: (c, r, 0)),
            pl.BlockSpec((1, BLK, D), lambda c, r: (c, r, 0)),
        ],
        out_shape=[
            jax.ShapeDtypeStruct((2, NP, D), jnp.float32),
            jax.ShapeDtypeStruct((2, NP, D), jnp.float32),
        ],
    )(featp, W_gcn, degp_pad)


def _epi_body(h_ref, acc_ref, degp_ref, bg_ref, w1_ref, b1_ref, w2_ref,
              b2_ref, out_ref):
    r = pl.program_id(1)
    deg = jnp.sum(degp_ref[0], axis=1, keepdims=True) + 1.0
    dinv = lax.rsqrt(deg)
    h = h_ref[0]
    acc = acc_ref[0]
    out = acc * dinv + h * (dinv * dinv) + bg_ref[...]
    z = jnp.dot(out, w1_ref[...], preferred_element_type=jnp.float32) + b1_ref[...]
    z = jnp.where(z > 0, z, jnp.exp(z) - 1.0)
    z = jnp.dot(z, w2_ref[...], preferred_element_type=jnp.float32) + b2_ref[...]
    nrm = jnp.sqrt(jnp.sum(z * z, axis=1, keepdims=True))
    z = z / jnp.maximum(nrm, 1e-12)
    rows = r * BLK + lax.broadcasted_iota(jnp.int32, (BLK, 1), 0)
    out_ref[0] = jnp.where(rows < N, z, 0.0)


def _tc_epi(h, acc, degp_pad, b_gcn2, fc1_W, fc1_b2, fc2_W, fc2_b2):
    return pl.pallas_call(
        _epi_body,
        grid=(2, GB),
        in_specs=[
            pl.BlockSpec((1, BLK, D), lambda c, r: (c, r, 0)),
            pl.BlockSpec((1, BLK, D), lambda c, r: (c, r, 0)),
            pl.BlockSpec((1, BLK, D), lambda c, r: (c, r, 0)),
            pl.BlockSpec((1, D), lambda c, r: (0, 0)),
            pl.BlockSpec((D, D), lambda c, r: (0, 0)),
            pl.BlockSpec((1, D), lambda c, r: (0, 0)),
            pl.BlockSpec((D, D), lambda c, r: (0, 0)),
            pl.BlockSpec((1, D), lambda c, r: (0, 0)),
        ],
        out_specs=pl.BlockSpec((1, BLK, D), lambda c, r: (c, r, 0)),
        out_shape=jax.ShapeDtypeStruct((2, NP, D), jnp.float32),
    )(h, acc, degp_pad, b_gcn2, fc1_W, fc1_b2, fc2_W, fc2_b2)


def _flash_body(ai_ref, bi_ref, aj_ref, bj_ref, x1_ref, rb_ref, cba_ref,
                diag_ref, ra_s, rb_s, cab_s, cba_s):
    i = pl.program_id(0)
    j = pl.program_id(1)
    ni = pl.num_programs(0)
    nj = pl.num_programs(1)
    ai = ai_ref[...]
    bi = bi_ref[...]
    aj = aj_ref[...]
    bj = bj_ref[...]
    dn = (((1,), (1,)), ((), ()))

    def fexp(s):
        return jnp.exp(s * INVT)

    eaa = fexp(lax.dot_general(aj, ai, dn, preferred_element_type=jnp.float32))
    ebb = fexp(lax.dot_general(bi, bj, dn, preferred_element_type=jnp.float32))
    eab = fexp(lax.dot_general(bj, ai, dn, preferred_element_type=jnp.float32))

    vaa = jnp.sum(eaa, axis=0, keepdims=True,
                  dtype=jnp.float32)
    vbb = jnp.sum(ebb, axis=1, keepdims=True,
                  dtype=jnp.float32)
    vab = jnp.sum(eab, axis=0, keepdims=True,
                  dtype=jnp.float32)
    vba = jnp.sum(eab, axis=1, keepdims=True,
                  dtype=jnp.float32)

    @pl.when(j == 0)
    def _():
        ra_s[...] = vaa
        rb_s[...] = vbb
        cab_s[...] = vab

    @pl.when(j > 0)
    def _():
        ra_s[...] = ra_s[...] + vaa
        rb_s[...] = rb_s[...] + vbb
        cab_s[...] = cab_s[...] + vab

    @pl.when(i == 0)
    def _():
        cba_s[pl.ds(j * BLK, BLK), :] = vba

    @pl.when(i > 0)
    def _():
        cba_s[pl.ds(j * BLK, BLK), :] = cba_s[pl.ds(j * BLK, BLK), :] + vba

    @pl.when(j == nj - 1)
    def _():
        x1_ref[...] = jnp.reshape(ra_s[...] + cab_s[...], (1, 1, BLK))
        rb_ref[...] = rb_s[...]
        diag_ref[...] = jnp.sum(ai.astype(jnp.float32) *
                                bi.astype(jnp.float32), axis=1, keepdims=True)

    @pl.when(i == ni - 1)
    def _():
        cba_ref[...] = cba_s[pl.ds(j * BLK, BLK), :]


def _tc_flash(a, b):
    return pl.pallas_call(
        _flash_body,
        grid=(GB, GB),
        in_specs=[
            pl.BlockSpec((BLK, D), lambda i, j: (i, 0)),
            pl.BlockSpec((BLK, D), lambda i, j: (i, 0)),
            pl.BlockSpec((BLK, D), lambda i, j: (j, 0)),
            pl.BlockSpec((BLK, D), lambda i, j: (j, 0)),
        ],
        out_specs=[
            pl.BlockSpec((1, 1, BLK), lambda i, j: (i, 0, 0)),
            pl.BlockSpec((BLK, 1), lambda i, j: (i, 0)),
            pl.BlockSpec((BLK, 1), lambda i, j: (j, 0)),
            pl.BlockSpec((BLK, 1), lambda i, j: (i, 0)),
        ],
        out_shape=[
            jax.ShapeDtypeStruct((GB, 1, BLK), jnp.float32),
            jax.ShapeDtypeStruct((NP, 1), jnp.float32),
            jax.ShapeDtypeStruct((NP, 1), jnp.float32),
            jax.ShapeDtypeStruct((NP, 1), jnp.float32),
        ],
        scratch_shapes=[
            pltpu.VMEM((1, BLK), jnp.float32),
            pltpu.VMEM((BLK, 1), jnp.float32),
            pltpu.VMEM((1, BLK), jnp.float32),
            pltpu.VMEM((NP, 1), jnp.float32),
        ],
    )(a, b, a, b)


def _asm_body(x1_ref, rb_ref, cba_ref, diag_ref, out_ref):
    corr = 2.0 * PAD + E2
    x1 = x1_ref[...] - corr
    node1 = (lax.broadcasted_iota(jnp.int32, (GB, 1, BLK), 0) * BLK +
             lax.broadcasted_iota(jnp.int32, (GB, 1, BLK), 2))
    t1 = jnp.sum(jnp.where(node1 < N, jnp.log(x1), 0.0))
    x2 = rb_ref[...] + cba_ref[...] - corr
    node2 = lax.broadcasted_iota(jnp.int32, (NP, 1), 0)
    mask2 = node2 < N
    t2 = jnp.sum(jnp.where(mask2, jnp.log(x2), 0.0))
    t3 = jnp.sum(jnp.where(mask2, diag_ref[...], 0.0))
    out_ref[...] = jnp.reshape(
        (0.5 * (t1 + t2) - INVT * t3) / N, (1, 1))


def _tc_asm(x1, rb, cba, diag):
    return pl.pallas_call(
        _asm_body,
        out_shape=jax.ShapeDtypeStruct((1, 1), jnp.float32),
    )(x1, rb, cba, diag)


def _pad_edges(e):
    src = jnp.concatenate([e[0], jnp.full((EP - E,), N, jnp.int32)])
    dst = jnp.concatenate([e[1], jnp.full((EP - E,), N, jnp.int32)])
    return src, dst


def kernel(edge1, edge2, feat1, feat2, W_gcn, b_gcn, fc1_W, fc1_b, fc2_W,
           fc2_b):
    src1, dst1 = _pad_edges(edge1)
    src2, dst2 = _pad_edges(edge2)
    dst1d = jnp.concatenate([dst1, dst2])
    src1d = jnp.concatenate([src1, src2 + NP])
    dst2d = dst1d.reshape(2 * 16 * CHUNKS, CH)
    znodes = jnp.zeros((NP,), jnp.float32)
    zrows = jnp.zeros((NP // 16, D), jnp.float32)

    degp = _sc_deg(dst1d, znodes)
    degp_pad = jnp.pad(
        degp.reshape(2, 16, NP).transpose(0, 2, 1), ((0, 0), (0, 0), (0, 112)))

    featp = jnp.stack([
        jnp.pad(feat1, ((0, PAD), (0, 0))),
        jnp.pad(feat2, ((0, PAD), (0, 0))),
    ])
    h, g = _tc_prep(featp, W_gcn, degp_pad)

    acc_flat = _sc_scatter(g.reshape(2 * NP, D), src1d, dst2d, zrows)
    acc = acc_flat.reshape(2, NP, D)

    anorm = _tc_epi(h, acc, degp_pad, b_gcn.reshape(1, D), fc1_W,
                    fc1_b.reshape(1, D), fc2_W, fc2_b.reshape(1, D))

    x1, rb, cba, diag = _tc_flash(anorm[0].astype(jnp.bfloat16),
                                  anorm[1].astype(jnp.bfloat16))
    loss = _tc_asm(x1, rb, cba, diag)
    return loss[0, 0]

# --- scband reference (transcript-rebuilt; emitter-appended) ---
"""Pipeline reference for scband-gscledge-14748917694890 (READ-ONLY COPY).

The authoritative reference and input builder live on the scoring server;
editing this copy changes nothing except your own understanding.
"""

import jax, jax.numpy as jnp
import numpy as np

N = 10000
E = 160000
D = 128  # in_dim == act_fn (GCN out channels) == proj hidden
OUT = 128
TEMP = 0.5


def setup_inputs(seed: int = 0) -> dict:
    key = jax.random.key(seed)
    ks = jax.random.split(key, 12)
    inp = {}
    inp["edge1"] = jax.random.randint(ks[0], (2, E), 0, N, dtype=jnp.int32)
    inp["edge2"] = jax.random.randint(ks[1], (2, E), 0, N, dtype=jnp.int32)
    inp["feat1"] = jax.random.normal(ks[2], (N, D), dtype=jnp.float32)
    inp["feat2"] = jax.random.normal(ks[3], (N, D), dtype=jnp.float32)
    sc = 1.0 / np.sqrt(D)
    inp["W_gcn"] = jax.random.normal(ks[4], (D, D), dtype=jnp.float32) * sc
    inp["b_gcn"] = jnp.zeros((D,), dtype=jnp.float32)
    inp["fc1_W"] = jax.random.normal(ks[5], (D, OUT), dtype=jnp.float32) * sc
    inp["fc1_b"] = jnp.zeros((OUT,), dtype=jnp.float32)
    inp["fc2_W"] = jax.random.normal(ks[6], (OUT, D), dtype=jnp.float32) * (1.0 / np.sqrt(OUT))
    inp["fc2_b"] = jnp.zeros((D,), dtype=jnp.float32)
    return inp


def _gcn(x, edge_index, W, b):
    n = x.shape[0]
    loop = jnp.arange(n, dtype=edge_index.dtype)
    src = jnp.concatenate([edge_index[0], loop])
    dst = jnp.concatenate([edge_index[1], loop])
    deg = jnp.zeros((n,), dtype=x.dtype).at[dst].add(1.0)
    dinv = jax.lax.rsqrt(jnp.maximum(deg, 1.0))
    norm = dinv[src] * dinv[dst]
    h = x @ W
    msg = h[src] * norm[:, None]
    out = jnp.zeros((n, W.shape[1]), dtype=x.dtype).at[dst].add(msg)
    return out + b


def _mlp(x, fc1_W, fc1_b, fc2_W, fc2_b):
    z = jax.nn.elu(x @ fc1_W + fc1_b)
    return z @ fc2_W + fc2_b


def _normalize(z):
    nrm = jnp.linalg.norm(z, axis=1, keepdims=True)
    return z / jnp.maximum(nrm, 1e-12)


def _contrastive(z1, z2):
    a = _normalize(z1)
    b = _normalize(z2)
    refl = jnp.exp((a @ a.T) / TEMP)
    betw = jnp.exp((a @ b.T) / TEMP)
    x1 = refl.sum(1) + betw.sum(1) - jnp.diag(refl)
    return -jnp.log(jnp.diag(betw) / x1)


def reference(edge1, edge2, feat1, feat2, W_gcn, b_gcn, fc1_W, fc1_b, fc2_W, fc2_b):
    h1 = _gcn(feat1, edge1, W_gcn, b_gcn)
    h2 = _gcn(feat2, edge2, W_gcn, b_gcn)
    z1 = _mlp(h1, fc1_W, fc1_b, fc2_W, fc2_b)
    z2 = _mlp(h2, fc1_W, fc1_b, fc2_W, fc2_b)
    l1 = _contrastive(z1, z2)
    l2 = _contrastive(z2, z1)
    return ((l1 + l2) * 0.5).mean()

if __name__ == "__main__":
    import jax
    _d = setup_inputs()
    print(jax.jit(kernel)(*tuple(_d.values())))

</pallas_src>

<mosaic_0001>
#map = affine_map<(d0, d1) -> (0)>
#map1 = affine_map<(d0, d1) -> (0, 0)>
module attributes {stable_mosaic.version = 14 : i64} {
  func.func @_sc_deg_body(%arg0: i32, %arg1: i32, %arg2: memref<327680xi32, #tpu.memory_space<hbm>>, %arg3: memref<10240xf32, #tpu.memory_space<hbm>>, %arg4: memref<32x10240xf32, #tpu.memory_space<hbm>>, %arg5: memref<10240xi32, #tpu.memory_space<vmem>>, %arg6: memref<10240xf32, #tpu.memory_space<vmem>>) attributes {dimension_semantics = [#tpu.dimension_semantics<core_parallel>, #tpu.dimension_semantics<subcore_parallel>], iteration_bounds = array<i64: 2, 16>, scalar_prefetch = 0 : i64, scratch_operands = 2 : i64, tpu.core_type = #tpu.core_type<sc_vector_subcore>, window_params = [{transform_indices = #map}, {transform_indices = #map}, {transform_indices = #map1}]} {
    %mul3A = arith.constant 16 : i32
    %mul3A_0 = arith.muli %arg0, %mul3A : i32
    %add3A = arith.addi %mul3A_0, %arg1 : i32
    %mul3A_1 = arith.constant 10240 : i32
    %mul3A_2 = arith.muli %add3A, %mul3A_1 : i32
    "tpu.region"() ({
      %run_scoped3A = tpu.sem_alloc : memref<!tpu.dma_semaphore, #tpu.memory_space<semaphore_mem>>
      %dma_start3A = tpu.memref_slice %arg2[%mul3A_2] : memref<327680xi32, #tpu.memory_space<hbm>> -> memref<10240xi32, #tpu.memory_space<hbm>>
      %dma_start3A_9 = tpu.memref_slice %arg2[%mul3A_2] : memref<327680xi32, #tpu.memory_space<hbm>> -> memref<10240xi32, #tpu.memory_space<hbm>>
      tpu.enqueue_dma source(%dma_start3A_9 : memref<10240xi32, #tpu.memory_space<hbm>>) target(%arg5 : memref<10240xi32, #tpu.memory_space<vmem>>) target_semaphore(%run_scoped3A : memref<!tpu.dma_semaphore, #tpu.memory_space<semaphore_mem>>)
      %dma_wait3A = tpu.memref_slice %arg2[%mul3A_2] : memref<327680xi32, #tpu.memory_space<hbm>> -> memref<10240xi32, #tpu.memory_space<hbm>>
      %dma_wait3A_10 = tpu.memref_slice %arg2[%mul3A_2] : memref<327680xi32, #tpu.memory_space<hbm>> -> memref<10240xi32, #tpu.memory_space<hbm>>
      tpu.wait_dma2 semaphore(%run_scoped3A : memref<!tpu.dma_semaphore, #tpu.memory_space<semaphore_mem>>) src(%dma_wait3A_10 : memref<10240xi32, #tpu.memory_space<hbm>>) dst(%arg5 : memref<10240xi32, #tpu.memory_space<vmem>>)
      tpu.yield
    }) : () -> ()
    "tpu.region"() ({
      %run_scoped3A = tpu.sem_alloc : memref<!tpu.dma_semaphore, #tpu.memory_space<semaphore_mem>>
      tpu.enqueue_dma source(%arg3 : memref<10240xf32, #tpu.memory_space<hbm>>) target(%arg6 : memref<10240xf32, #tpu.memory_space<vmem>>) target_semaphore(%run_scoped3A : memref<!tpu.dma_semaphore, #tpu.memory_space<semaphore_mem>>)
      tpu.wait_dma2 semaphore(%run_scoped3A : memref<!tpu.dma_semaphore, #tpu.memory_space<semaphore_mem>>) src(%arg3 : memref<10240xf32, #tpu.memory_space<hbm>>) dst(%arg6 : memref<10240xf32, #tpu.memory_space<vmem>>)
      tpu.yield
    }) : () -> ()
    %broadcast_in_dim3A = arith.constant 1.000000e+00 : f32
    %broadcast_in_dim3A_3 = vector.broadcast %broadcast_in_dim3A : f32 to vector<16xf32>
    %scan3A = arith.constant 0 : i32
    %scan3A_4 = arith.constant 0 : i32
    %scan3A_5 = arith.constant 640 : i32
    %scan3A_6 = arith.addi %scan3A_4, %scan3A_5 : i32
    %scan3A_7 = arith.constant 1 : i32
    scf.for %scan3A_9 = %scan3A_4 to %scan3A_6 step %scan3A_7  : i32 {
      %mul3A_10 = arith.constant 16 : i32
      %mul3A_11 = arith.muli %scan3A_9, %mul3A_10 : i32
      %get3A = arith.index_cast %mul3A_11 : i32 to index
      %get3A_12 = tpu.vector_load %arg5[%get3A] {strides = array<i32>} : memref<10240xi32, #tpu.memory_space<vmem>>, vector<16xi32>,
      tpu.vector_store_idx %arg6[%get3A_12], %broadcast_in_dim3A_3 {add = true} : memref<10240xf32, #tpu.memory_space<vmem>>[vector<16xi32>], vector<16xf32>,
    }
    %scan3A_8 = arith.constant 640 : i32
    "tpu.region"() ({
      %run_scoped3A = tpu.sem_alloc : memref<!tpu.dma_semaphore, #tpu.memory_space<semaphore_mem>>
      %dma_start3A = arith.constant 0 : i32
      %dma_start3A_9 = tpu.memref_slice %arg4[%add3A, %dma_start3A] : memref<32x10240xf32, #tpu.memory_space<hbm>> -> memref<1x10240xf32, #tpu.memory_space<hbm>>
      %dma_start3A_10 = tpu.memref_squeeze %dma_start3A_9 : memref<1x10240xf32, #tpu.memory_space<hbm>> -> memref<10240xf32, #tpu.memory_space<hbm>>
      %dma_start3A_11 = arith.constant 0 : i32
      %dma_start3A_12 = tpu.memref_slice %arg4[%add3A, %dma_start3A_11] : memref<32x10240xf32, #tpu.memory_space<hbm>> -> memref<1x10240xf32, #tpu.memory_space<hbm>>
      %dma_start3A_13 = tpu.memref_squeeze %dma_start3A_12 : memref<1x10240xf32, #tpu.memory_space<hbm>> -> memref<10240xf32, #tpu.memory_space<hbm>>
      tpu.enqueue_dma source(%arg6 : memref<10240xf32, #tpu.memory_space<vmem>>) target(%dma_start3A_13 : memref<10240xf32, #tpu.memory_space<hbm>>) target_semaphore(%run_scoped3A : memref<!tpu.dma_semaphore, #tpu.memory_space<semaphore_mem>>)
      %dma_wait3A = arith.constant 0 : i32
      %dma_wait3A_14 = tpu.memref_slice %arg4[%add3A, %dma_wait3A] : memref<32x10240xf32, #tpu.memory_space<hbm>> -> memref<1x10240xf32, #tpu.memory_space<hbm>>
      %dma_wait3A_15 = tpu.memref_squeeze %dma_wait3A_14 : memref<1x10240xf32, #tpu.memory_space<hbm>> -> memref<10240xf32, #tpu.memory_space<hbm>>
      %dma_wait3A_16 = arith.constant 0 : i32
      %dma_wait3A_17 = tpu.memref_slice %arg4[%add3A, %dma_wait3A_16] : memref<32x10240xf32, #tpu.memory_space<hbm>> -> memref<1x10240xf32, #tpu.memory_space<hbm>>
      %dma_wait3A_18 = tpu.memref_squeeze %dma_wait3A_17 : memref<1x10240xf32, #tpu.memory_space<hbm>> -> memref<10240xf32, #tpu.memory_space<hbm>>
      tpu.wait_dma2 semaphore(%run_scoped3A : memref<!tpu.dma_semaphore, #tpu.memory_space<semaphore_mem>>) src(%arg6 : memref<10240xf32, #tpu.memory_space<vmem>>) dst(%dma_wait3A_18 : memref<10240xf32, #tpu.memory_space<hbm>>)
      tpu.yield
    }) : () -> ()
    return
  }
}

#map = affine_map<(d0, d1) -> (0, 0)>
#map1 = affine_map<(d0, d1) -> (0)>
module attributes {stable_mosaic.version = 14 : i64} {
  func.func @_sc_scatter_body(%arg0: i32, %arg1: i32, %arg2: memref<20480x128xf32, #tpu.memory_space<hbm>>, %arg3: memref<327680xi32, #tpu.memory_space<hbm>>, %arg4: memref<2560x128xi32, #tpu.memory_space<hbm>>, %arg5: memref<640x128xf32, #tpu.memory_space<hbm>>, %arg6: memref<20480x128xf32, #tpu.memory_space<hbm>>, %arg7: memref<5120xi32, #tpu.memory_space<vmem>>, %arg8: memref<40x128xi32, #tpu.memory_space<vmem>>, %arg9: memref<128x128xf32, #tpu.memory_space<vmem>>, %arg10: memref<128x128xf32, #tpu.memory_space<vmem>>, %arg11: memref<10240x128xf32, #tpu.memory_space<vmem_shared>>, %arg12: memref<!tpu.dma_semaphore, #tpu.memory_space<semaphore_mem>>, %arg13: memref<!tpu.dma_semaphore, #tpu.memory_space<semaphore_mem>>) attributes {dimension_semantics = [#tpu.dimension_semantics<core_parallel>, #tpu.dimension_semantics<subcore_parallel>], iteration_bounds = array<i64: 2, 16>, scalar_prefetch = 0 : i64, scratch_operands = 7 : i64, tpu.core_type = #tpu.core_type<sc_vector_subcore>, window_params = [{transform_indices = #map}, {transform_indices = #map1}, {transform_indices = #map}, {transform_indices = #map}, {transform_indices = #map}]} {
    %mul3A = arith.constant 16 : i32
    %mul3A_0 = arith.muli %arg0, %mul3A : i32
    %add3A = arith.addi %mul3A_0, %arg1 : i32
    %mul3A_1 = arith.constant 640 : i32
    %mul3A_2 = arith.muli %arg1, %mul3A_1 : i32
    "tpu.region"() ({
      %run_scoped3A = tpu.sem_alloc : memref<!tpu.dma_semaphore, #tpu.memory_space<semaphore_mem>>
      %dma_start3A_47 = arith.constant 0 : i32
      %dma_start3A_48 = tpu.memref_slice %arg11[%mul3A_2, %dma_start3A_47] : memref<10240x128xf32, #tpu.memory_space<vmem_shared>> -> memref<640x128xf32, #tpu.memory_space<vmem_shared>>
      tpu.enqueue_dma source(%arg5 : memref<640x128xf32, #tpu.memory_space<hbm>>) target(%dma_start3A_48 : memref<640x128xf32, #tpu.memory_space<vmem_shared>>) target_semaphore(%run_scoped3A : memref<!tpu.dma_semaphore, #tpu.memory_space<semaphore_mem>>)
      %dma_wait3A = arith.constant 0 : i32
      %dma_wait3A_49 = tpu.memref_slice %arg11[%mul3A_2, %dma_wait3A] : memref<10240x128xf32, #tpu.memory_space<vmem_shared>> -> memref<640x128xf32, #tpu.memory_space<vmem_shared>>
      tpu.wait_dma2 semaphore(%run_scoped3A : memref<!tpu.dma_semaphore, #tpu.memory_space<semaphore_mem>>) src(%arg5 : memref<640x128xf32, #tpu.memory_space<hbm>>) dst(%dma_wait3A_49 : memref<640x128xf32, #tpu.memory_space<vmem_shared>>)
      tpu.yield
    }) : () -> ()
    %barrier3A = arith.constant 0 : index
    tpu.barrier barrier_id(%barrier3A)
    %mul3A_3 = arith.constant 10240 : i32
    %mul3A_4 = arith.muli %add3A, %mul3A_3 : i32
    %add3A_5 = arith.constant 0 : i32
    %add3A_6 = arith.addi %mul3A_4, %add3A_5 : i32
    "tpu.region"() ({
      %run_scoped3A = tpu.sem_alloc : memref<!tpu.dma_semaphore, #tpu.memory_space<semaphore_mem>>
      %dma_start3A_47 = tpu.memref_slice %arg3[%add3A_6] : memref<327680xi32, #tpu.memory_space<hbm>> -> memref<5120xi32, #tpu.memory_space<hbm>>
      %dma_start3A_48 = tpu.memref_slice %arg3[%add3A_6] : memref<327680xi32, #tpu.memory_space<hbm>> -> memref<5120xi32, #tpu.memory_space<hbm>>
      tpu.enqueue_dma source(%dma_start3A_48 : memref<5120xi32, #tpu.memory_space<hbm>>) target(%arg7 : memref<5120xi32, #tpu.memory_space<vmem>>) target_semaphore(%run_scoped3A : memref<!tpu.dma_semaphore, #tpu.memory_space<semaphore_mem>>)
      %dma_wait3A = tpu.memref_slice %arg3[%add3A_6] : memref<327680xi32, #tpu.memory_space<hbm>> -> memref<5120xi32, #tpu.memory_space<hbm>>
      %dma_wait3A_49 = tpu.memref_slice %arg3[%add3A_6] : memref<327680xi32, #tpu.memory_space<hbm>> -> memref<5120xi32, #tpu.memory_space<hbm>>
      tpu.wait_dma2 semaphore(%run_scoped3A : memref<!tpu.dma_semaphore, #tpu.memory_space<semaphore_mem>>) src(%dma_wait3A_49 : memref<5120xi32, #tpu.memory_space<hbm>>) dst(%arg7 : memref<5120xi32, #tpu.memory_space<vmem>>)
      tpu.yield
    }) : () -> ()
    %mul3A_7 = arith.constant 80 : i32
    %mul3A_8 = arith.muli %add3A, %mul3A_7 : i32
    %add3A_9 = arith.constant 0 : i32
    %add3A_10 = arith.addi %mul3A_8, %add3A_9 : i32
    "tpu.region"() ({
      %run_scoped3A = tpu.sem_alloc : memref<!tpu.dma_semaphore, #tpu.memory_space<semaphore_mem>>
      %dma_start3A_47 = arith.constant 0 : i32
      %dma_start3A_48 = tpu.memref_slice %arg4[%add3A_10, %dma_start3A_47] : memref<2560x128xi32, #tpu.memory_space<hbm>> -> memref<40x128xi32, #tpu.memory_space<hbm>>
      %dma_start3A_49 = arith.constant 0 : i32
      %dma_start3A_50 = tpu.memref_slice %arg4[%add3A_10, %dma_start3A_49] : memref<2560x128xi32, #tpu.memory_space<hbm>> -> memref<40x128xi32, #tpu.memory_space<hbm>>
      tpu.enqueue_dma source(%dma_start3A_50 : memref<40x128xi32, #tpu.memory_space<hbm>>) target(%arg8 : memref<40x128xi32, #tpu.memory_space<vmem>>) target_semaphore(%run_scoped3A : memref<!tpu.dma_semaphore, #tpu.memory_space<semaphore_mem>>)
      %dma_wait3A = arith.constant 0 : i32
      %dma_wait3A_51 = tpu.memref_slice %arg4[%add3A_10, %dma_wait3A] : memref<2560x128xi32, #tpu.memory_space<hbm>> -> memref<40x128xi32, #tpu.memory_space<hbm>>
      %dma_wait3A_52 = arith.constant 0 : i32
      %dma_wait3A_53 = tpu.memref_slice %arg4[%add3A_10, %dma_wait3A_52] : memref<2560x128xi32, #tpu.memory_space<hbm>> -> memref<40x128xi32, #tpu.memory_space<hbm>>
      tpu.wait_dma2 semaphore(%run_scoped3A : memref<!tpu.dma_semaphore, #tpu.memory_space<semaphore_mem>>) src(%dma_wait3A_53 : memref<40x128xi32, #tpu.memory_space<hbm>>) dst(%arg8 : memref<40x128xi32, #tpu.memory_space<vmem>>)
      tpu.yield
    }) : () -> ()
    %dma_start3A = arith.constant 0 : i32
    %dma_start3A_11 = tpu.memref_slice %arg7[%dma_start3A] : memref<5120xi32, #tpu.memory_space<vmem>> -> memref<128xi32, #tpu.memory_space<vmem>>
    %dma_start3A_12 = arith.constant 0 : i32
    %dma_start3A_13 = arith.constant 0 : i32
    %dma_start3A_14 = tpu.memref_slice %arg2[%dma_start3A_12, %dma_start3A_13] : memref<20480x128xf32, #tpu.memory_space<hbm>> -> memref<20480x128xf32, #tpu.memory_space<hbm>>
    tpu.enqueue_indirect_dma source(%dma_start3A_14 : memref<20480x128xf32, #tpu.memory_space<hbm>>) target(%arg9 : memref<128x128xf32, #tpu.memory_space<vmem>>) offsets(%dma_start3A_11 : memref<128xi32, #tpu.memory_space<vmem>>) semaphore(%arg12 : memref<!tpu.dma_semaphore, #tpu.memory_space<semaphore_mem>>)
    %scan3A = arith.constant 0 : i32
    %scan3A_15 = arith.constant 0 : i32
    %scan3A_16 = arith.constant 20 : i32
    %scan3A_17 = arith.addi %scan3A_15, %scan3A_16 : i32
    %scan3A_18 = arith.constant 1 : i32
    scf.for %scan3A_47 = %scan3A_15 to %scan3A_17 step %scan3A_18  : i32 {
      %mul3A_48 = arith.constant 2 : i32
      %mul3A_49 = arith.muli %mul3A_48, %scan3A_47 : i32
      %add3A_50 = arith.constant 1 : i32
      %add3A_51 = arith.addi %mul3A_49, %add3A_50 : i32
      %mul3A_52 = arith.constant 128 : i32
      %mul3A_53 = arith.muli %add3A_51, %mul3A_52 : i32
      %dma_start3A_54 = tpu.memref_slice %arg7[%mul3A_53] : memref<5120xi32, #tpu.memory_space<vmem>> -> memref<128xi32, #tpu.memory_space<vmem>>
      %dma_start3A_55 = arith.constant 0 : i32
      %dma_start3A_56 = arith.constant 0 : i32
      %dma_start3A_57 = tpu.memref_slice %arg2[%dma_start3A_55, %dma_start3A_56] : memref<20480x128xf32, #tpu.memory_space<hbm>> -> memref<20480x128xf32, #tpu.memory_space<hbm>>
      tpu.enqueue_indirect_dma source(%dma_start3A_57 : memref<20480x128xf32, #tpu.memory_space<hbm>>) target(%arg10 : memref<128x128xf32, #tpu.memory_space<vmem>>) offsets(%dma_start3A_54 : memref<128xi32, #tpu.memory_space<vmem>>) semaphore(%arg13 : memref<!tpu.dma_semaphore, #tpu.memory_space<semaphore_mem>>)
      %dma_wait3A = arith.constant 0 : i32
      %dma_wait3A_58 = arith.constant 0 : i32
      %dma_wait3A_59 = tpu.memref_slice %arg2[%dma_wait3A, %dma_wait3A_58] : memref<20480x128xf32, #tpu.memory_space<hbm>> -> memref<128x128xf32, #tpu.memory_space<hbm>>
      %dma_wait3A_60 = arith.constant 0 : i32
      %dma_wait3A_61 = arith.constant 0 : i32
      %dma_wait3A_62 = tpu.memref_slice %arg2[%dma_wait3A_60, %dma_wait3A_61] : memref<20480x128xf32, #tpu.memory_space<hbm>> -> memref<128x128xf32, #tpu.memory_space<hbm>>
      tpu.wait_dma2 semaphore(%arg12 : memref<!tpu.dma_semaphore, #tpu.memory_space<semaphore_mem>>) src(%dma_wait3A_62 : memref<128x128xf32, #tpu.memory_space<hbm>>) dst(%arg9 : memref<128x128xf32, #tpu.memory_space<vmem>>)
      "tpu.region"() ({
        %run_scoped3A = tpu.sem_alloc : memref<!tpu.dma_semaphore, #tpu.memory_space<semaphore_mem>>
        %dma_start3A_75 = arith.constant 0 : i32
        %dma_start3A_76 = tpu.memref_slice %arg8[%mul3A_49, %dma_start3A_75] : memref<40x128xi32, #tpu.memory_space<vmem>> -> memref<1x128xi32, #tpu.memory_space<vmem>>
        %dma_start3A_77 = tpu.memref_squeeze %dma_start3A_76 : memref<1x128xi32, #tpu.memory_space<vmem>> -> memref<128xi32, #tpu.memory_space<vmem>>
        %dma_start3A_78 = arith.constant 0 : i32
        %dma_start3A_79 = arith.constant 0 : i32
        %dma_start3A_80 = tpu.memref_slice %arg11[%dma_start3A_78, %dma_start3A_79] : memref<10240x128xf32, #tpu.memory_space<vmem_shared>> -> memref<10240x128xf32, #tpu.memory_space<vmem_shared>>
        tpu.enqueue_indirect_dma source(%arg9 : memref<128x128xf32, #tpu.memory_space<vmem>>) target(%dma_start3A_80 : memref<10240x128xf32, #tpu.memory_space<vmem_shared>>) offsets(%dma_start3A_77 : memref<128xi32, #tpu.memory_space<vmem>>) semaphore(%run_scoped3A : memref<!tpu.dma_semaphore, #tpu.memory_space<semaphore_mem>>) {add = true}
        %dma_wait3A_81 = arith.constant 0 : i32
        %dma_wait3A_82 = tpu.memref_slice %arg8[%mul3A_49, %dma_wait3A_81] : memref<40x128xi32, #tpu.memory_space<vmem>> -> memref<1x128xi32, #tpu.memory_space<vmem>>
        %dma_wait3A_83 = tpu.memref_squeeze %dma_wait3A_82 : memref<1x128xi32, #tpu.memory_space<vmem>> -> memref<128xi32, #tpu.memory_space<vmem>>
        %dma_wait3A_84 = arith.constant 0 : i32
        %dma_wait3A_85 = arith.constant 0 : i32
        %dma_wait3A_86 = tpu.memref_slice %arg11[%dma_wait3A_84, %dma_wait3A_85] : memref<10240x128xf32, #tpu.memory_space<vmem_shared>> -> memref<10240x128xf32, #tpu.memory_space<vmem_shared>>
        tpu.wait_indirect_dma semaphore(%run_scoped3A : memref<!tpu.dma_semaphore, #tpu.memory_space<semaphore_mem>>) src(%arg9 : memref<128x128xf32, #tpu.memory_space<vmem>>) dst(%dma_wait3A_86 : memref<10240x128xf32, #tpu.memory_space<vmem_shared>>)
        tpu.yield
      }) : () -> ()
      %add3A_63 = arith.constant 2 : i32
      %add3A_64 = arith.addi %mul3A_49, %add3A_63 : i32
      %lt3A = arith.constant 40 : i32
      %lt3A_65 = arith.cmpi slt, %add3A_64, %lt3A : i32
      %convert_element_type3A = arith.extui %lt3A_65 : i1 to i32
      %cond3A = arith.constant 0 : i32
      %cond3A_66 = arith.cmpi ne, %convert_element_type3A, %cond3A : i32
      scf.if %cond3A_66 {
        %add3A_75 = arith.constant 2 : i32
        %add3A_76 = arith.addi %mul3A_49, %add3A_75 : i32
        %mul3A_77 = arith.constant 128 : i32
        %mul3A_78 = arith.muli %add3A_76, %mul3A_77 : i32
        %dma_start3A_79 = tpu.memref_slice %arg7[%mul3A_78] : memref<5120xi32, #tpu.memory_space<vmem>> -> memref<128xi32, #tpu.memory_space<vmem>>
        %dma_start3A_80 = arith.constant 0 : i32
        %dma_start3A_81 = arith.constant 0 : i32
        %dma_start3A_82 = tpu.memref_slice %arg2[%dma_start3A_80, %dma_start3A_81] : memref<20480x128xf32, #tpu.memory_space<hbm>> -> memref<20480x128xf32, #tpu.memory_space<hbm>>
        tpu.enqueue_indirect_dma source(%dma_start3A_82 : memref<20480x128xf32, #tpu.memory_space<hbm>>) target(%arg9 : memref<128x128xf32, #tpu.memory_space<vmem>>) offsets(%dma_start3A_79 : memref<128xi32, #tpu.memory_space<vmem>>) semaphore(%arg12 : memref<!tpu.dma_semaphore, #tpu.memory_space<semaphore_mem>>)
      } else {
      }
      %dma_wait3A_67 = arith.constant 0 : i32
      %dma_wait3A_68 = arith.constant 0 : i32
      %dma_wait3A_69 = tpu.memref_slice %arg2[%dma_wait3A_67, %dma_wait3A_68] : memref<20480x128xf32, #tpu.memory_space<hbm>> -> memref<128x128xf32, #tpu.memory_space<hbm>>
      %dma_wait3A_70 = arith.constant 0 : i32
      %dma_wait3A_71 = arith.constant 0 : i32
      %dma_wait3A_72 = tpu.memref_slice %arg2[%dma_wait3A_70, %dma_wait3A_71] : memref<20480x128xf32, #tpu.memory_space<hbm>> -> memref<128x128xf32, #tpu.memory_space<hbm>>
      tpu.wait_dma2 semaphore(%arg13 : memref<!tpu.dma_semaphore, #tpu.memory_space<semaphore_mem>>) src(%dma_wait3A_72 : memref<128x128xf32, #tpu.memory_space<hbm>>) dst(%arg10 : memref<128x128xf32, #tpu.memory_space<vmem>>)
      %add3A_73 = arith.constant 1 : i32
      %add3A_74 = arith.addi %mul3A_49, %add3A_73 : i32
      "tpu.region"() ({
        %run_scoped3A = tpu.sem_alloc : memref<!tpu.dma_semaphore, #tpu.memory_space<semaphore_mem>>
        %dma_start3A_75 = arith.constant 0 : i32
        %dma_start3A_76 = tpu.memref_slice %arg8[%add3A_74, %dma_start3A_75] : memref<40x128xi32, #tpu.memory_space<vmem>> -> memref<1x128xi32, #tpu.memory_space<vmem>>
        %dma_start3A_77 = tpu.memref_squeeze %dma_start3A_76 : memref<1x128xi32, #tpu.memory_space<vmem>> -> memref<128xi32, #tpu.memory_space<vmem>>
        %dma_start3A_78 = arith.constant 0 : i32
        %dma_start3A_79 = arith.constant 0 : i32
        %dma_start3A_80 = tpu.memref_slice %arg11[%dma_start3A_78, %dma_start3A_79] : memref<10240x128xf32, #tpu.memory_space<vmem_shared>> -> memref<10240x128xf32, #tpu.memory_space<vmem_shared>>
        tpu.enqueue_indirect_dma source(%arg10 : memref<128x128xf32, #tpu.memory_space<vmem>>) target(%dma_start3A_80 : memref<10240x128xf32, #tpu.memory_space<vmem_shared>>) offsets(%dma_start3A_77 : memref<128xi32, #tpu.memory_space<vmem>>) semaphore(%run_scoped3A : memref<!tpu.dma_semaphore, #tpu.memory_space<semaphore_mem>>) {add = true}
        %dma_wait3A_81 = arith.constant 0 : i32
        %dma_wait3A_82 = tpu.memref_slice %arg8[%add3A_74, %dma_wait3A_81] : memref<40x128xi32, #tpu.memory_space<vmem>> -> memref<1x128xi32, #tpu.memory_space<vmem>>
        %dma_wait3A_83 = tpu.memref_squeeze %dma_wait3A_82 : memref<1x128xi32, #tpu.memory_space<vmem>> -> memref<128xi32, #tpu.memory_space<vmem>>
        %dma_wait3A_84 = arith.constant 0 : i32
        %dma_wait3A_85 = arith.constant 0 : i32
        %dma_wait3A_86 = tpu.memref_slice %arg11[%dma_wait3A_84, %dma_wait3A_85] : memref<10240x128xf32, #tpu.memory_space<vmem_shared>> -> memref<10240x128xf32, #tpu.memory_space<vmem_shared>>
        tpu.wait_indirect_dma semaphore(%run_scoped3A : memref<!tpu.dma_semaphore, #tpu.memory_space<semaphore_mem>>) src(%arg10 : memref<128x128xf32, #tpu.memory_space<vmem>>) dst(%dma_wait3A_86 : memref<10240x128xf32, #tpu.memory_space<vmem_shared>>)
        tpu.yield
      }) : () -> ()
    }
    %scan3A_19 = arith.constant 20 : i32
    %mul3A_20 = arith.constant 10240 : i32
    %mul3A_21 = arith.muli %add3A, %mul3A_20 : i32
    %add3A_22 = arith.constant 5120 : i32
    %add3A_23 = arith.addi %mul3A_21, %add3A_22 : i32
    "tpu.region"() ({
      %run_scoped3A = tpu.sem_alloc : memref<!tpu.dma_semaphore, #tpu.memory_space<semaphore_mem>>
      %dma_start3A_47 = tpu.memref_slice %arg3[%add3A_23] : memref<327680xi32, #tpu.memory_space<hbm>> -> memref<5120xi32, #tpu.memory_space<hbm>>
      %dma_start3A_48 = tpu.memref_slice %arg3[%add3A_23] : memref<327680xi32, #tpu.memory_space<hbm>> -> memref<5120xi32, #tpu.memory_space<hbm>>
      tpu.enqueue_dma source(%dma_start3A_48 : memref<5120xi32, #tpu.memory_space<hbm>>) target(%arg7 : memref<5120xi32, #tpu.memory_space<vmem>>) target_semaphore(%run_scoped3A : memref<!tpu.dma_semaphore, #tpu.memory_space<semaphore_mem>>)
      %dma_wait3A = tpu.memref_slice %arg3[%add3A_23] : memref<327680xi32, #tpu.memory_space<hbm>> -> memref<5120xi32, #tpu.memory_space<hbm>>
      %dma_wait3A_49 = tpu.memref_slice %arg3[%add3A_23] : memref<327680xi32, #tpu.memory_space<hbm>> -> memref<5120xi32, #tpu.memory_space<hbm>>
      tpu.wait_dma2 semaphore(%run_scoped3A : memref<!tpu.dma_semaphore, #tpu.memory_space<semaphore_mem>>) src(%dma_wait3A_49 : memref<5120xi32, #tpu.memory_space<hbm>>) dst(%arg7 : memref<5120xi32, #tpu.memory_space<vmem>>)
      tpu.yield
    }) : () -> ()
    %mul3A_24 = arith.constant 80 : i32
    %mul3A_25 = arith.muli %add3A, %mul3A_24 : i32
    %add3A_26 = arith.constant 40 : i32
    %add3A_27 = arith.addi %mul3A_25, %add3A_26 : i32
    "tpu.region"() ({
      %run_scoped3A = tpu.sem_alloc : memref<!tpu.dma_semaphore, #tpu.memory_space<semaphore_mem>>
      %dma_start3A_47 = arith.constant 0 : i32
      %dma_start3A_48 = tpu.memref_slice %arg4[%add3A_27, %dma_start3A_47] : memref<2560x128xi32, #tpu.memory_space<hbm>> -> memref<40x128xi32, #tpu.memory_space<hbm>>
      %dma_start3A_49 = arith.constant 0 : i32
      %dma_start3A_50 = tpu.memref_slice %arg4[%add3A_27, %dma_start3A_49] : memref<2560x128xi32, #tpu.memory_space<hbm>> -> memref<40x128xi32, #tpu.memory_space<hbm>>
      tpu.enqueue_dma source(%dma_start3A_50 : memref<40x128xi32, #tpu.memory_space<hbm>>) target(%arg8 : memref<40x128xi32, #tpu.memory_space<vmem>>) target_semaphore(%run_scoped3A : memref<!tpu.dma_semaphore, #tpu.memory_space<semaphore_mem>>)
      %dma_wait3A = arith.constant 0 : i32
      %dma_wait3A_51 = tpu.memref_slice %arg4[%add3A_27, %dma_wait3A] : memref<2560x128xi32, #tpu.memory_space<hbm>> -> memref<40x128xi32, #tpu.memory_space<hbm>>
      %dma_wait3A_52 = arith.constant 0 : i32
      %dma_wait3A_53 = tpu.memref_slice %arg4[%add3A_27, %dma_wait3A_52] : memref<2560x128xi32, #tpu.memory_space<hbm>> -> memref<40x128xi32, #tpu.memory_space<hbm>>
      tpu.wait_dma2 semaphore(%run_scoped3A : memref<!tpu.dma_semaphore, #tpu.memory_space<semaphore_mem>>) src(%dma_wait3A_53 : memref<40x128xi32, #tpu.memory_space<hbm>>) dst(%arg8 : memref<40x128xi32, #tpu.memory_space<vmem>>)
      tpu.yield
    }) : () -> ()
    %dma_start3A_28 = arith.constant 0 : i32
    %dma_start3A_29 = tpu.memref_slice %arg7[%dma_start3A_28] : memref<5120xi32, #tpu.memory_space<vmem>> -> memref<128xi32, #tpu.memory_space<vmem>>
    %dma_start3A_30 = arith.constant 0 : i32
    %dma_start3A_31 = arith.constant 0 : i32
    %dma_start3A_32 = tpu.memref_slice %arg2[%dma_start3A_30, %dma_start3A_31] : memref<20480x128xf32, #tpu.memory_space<hbm>> -> memref<20480x128xf32, #tpu.memory_space<hbm>>
    tpu.enqueue_indirect_dma source(%dma_start3A_32 : memref<20480x128xf32, #tpu.memory_space<hbm>>) target(%arg9 : memref<128x128xf32, #tpu.memory_space<vmem>>) offsets(%dma_start3A_29 : memref<128xi32, #tpu.memory_space<vmem>>) semaphore(%arg12 : memref<!tpu.dma_semaphore, #tpu.memory_space<semaphore_mem>>)
    %scan3A_33 = arith.constant 0 : i32
    %scan3A_34 = arith.constant 0 : i32
    %scan3A_35 = arith.constant 20 : i32
    %scan3A_36 = arith.addi %scan3A_34, %scan3A_35 : i32
    %scan3A_37 = arith.constant 1 : i32
    scf.for %scan3A_47 = %scan3A_34 to %scan3A_36 step %scan3A_37  : i32 {
      %mul3A_48 = arith.constant 2 : i32
      %mul3A_49 = arith.muli %mul3A_48, %scan3A_47 : i32
      %add3A_50 = arith.constant 1 : i32
      %add3A_51 = arith.addi %mul3A_49, %add3A_50 : i32
      %mul3A_52 = arith.constant 128 : i32
      %mul3A_53 = arith.muli %add3A_51, %mul3A_52 : i32
      %dma_start3A_54 = tpu.memref_slice %arg7[%mul3A_53] : memref<5120xi32, #tpu.memory_space<vmem>> -> memref<128xi32, #tpu.memory_space<vmem>>
      %dma_start3A_55 = arith.constant 0 : i32
      %dma_start3A_56 = arith.constant 0 : i32
      %dma_start3A_57 = tpu.memref_slice %arg2[%dma_start3A_55, %dma_start3A_56] : memref<20480x128xf32, #tpu.memory_space<hbm>> -> memref<20480x128xf32, #tpu.memory_space<hbm>>
      tpu.enqueue_indirect_dma source(%dma_start3A_57 : memref<20480x128xf32, #tpu.memory_space<hbm>>) target(%arg10 : memref<128x128xf32, #tpu.memory_space<vmem>>) offsets(%dma_start3A_54 : memref<128xi32, #tpu.memory_space<vmem>>) semaphore(%arg13 : memref<!tpu.dma_semaphore, #tpu.memory_space<semaphore_mem>>)
      %dma_wait3A = arith.constant 0 : i32
      %dma_wait3A_58 = arith.constant 0 : i32
      %dma_wait3A_59 = tpu.memref_slice %arg2[%dma_wait3A, %dma_wait3A_58] : memref<20480x128xf32, #tpu.memory_space<hbm>> -> memref<128x128xf32, #tpu.memory_space<hbm>>
      %dma_wait3A_60 = arith.constant 0 : i32
      %dma_wait3A_61 = arith.constant 0 : i32
      %dma_wait3A_62 = tpu.memref_slice %arg2[%dma_wait3A_60, %dma_wait3A_61] : memref<20480x128xf32, #tpu.memory_space<hbm>> -> memref<128x128xf32, #tpu.memory_space<hbm>>
      tpu.wait_dma2 semaphore(%arg12 : memref<!tpu.dma_semaphore, #tpu.memory_space<semaphore_mem>>) src(%dma_wait3A_62 : memref<128x128xf32, #tpu.memory_space<hbm>>) dst(%arg9 : memref<128x128xf32, #tpu.memory_space<vmem>>)
      "tpu.region"() ({
        %run_scoped3A = tpu.sem_alloc : memref<!tpu.dma_semaphore, #tpu.memory_space<semaphore_mem>>
        %dma_start3A_75 = arith.constant 0 : i32
        %dma_start3A_76 = tpu.memref_slice %arg8[%mul3A_49, %dma_start3A_75] : memref<40x128xi32, #tpu.memory_space<vmem>> -> memref<1x128xi32, #tpu.memory_space<vmem>>
        %dma_start3A_77 = tpu.memref_squeeze %dma_start3A_76 : memref<1x128xi32, #tpu.memory_space<vmem>> -> memref<128xi32, #tpu.memory_space<vmem>>
        %dma_start3A_78 = arith.constant 0 : i32
        %dma_start3A_79 = arith.constant 0 : i32
        %dma_start3A_80 = tpu.memref_slice %arg11[%dma_start3A_78, %dma_start3A_79] : memref<10240x128xf32, #tpu.memory_space<vmem_shared>> -> memref<10240x128xf32, #tpu.memory_space<vmem_shared>>
        tpu.enqueue_indirect_dma source(%arg9 : memref<128x128xf32, #tpu.memory_space<vmem>>) target(%dma_start3A_80 : memref<10240x128xf32, #tpu.memory_space<vmem_shared>>) offsets(%dma_start3A_77 : memref<128xi32, #tpu.memory_space<vmem>>) semaphore(%run_scoped3A : memref<!tpu.dma_semaphore, #tpu.memory_space<semaphore_mem>>) {add = true}
        %dma_wait3A_81 = arith.constant 0 : i32
        %dma_wait3A_82 = tpu.memref_slice %arg8[%mul3A_49, %dma_wait3A_81] : memref<40x128xi32, #tpu.memory_space<vmem>> -> memref<1x128xi32, #tpu.memory_space<vmem>>
        %dma_wait3A_83 = tpu.memref_squeeze %dma_wait3A_82 : memref<1x128xi32, #tpu.memory_space<vmem>> -> memref<128xi32, #tpu.memory_space<vmem>>
        %dma_wait3A_84 = arith.constant 0 : i32
        %dma_wait3A_85 = arith.constant 0 : i32
        %dma_wait3A_86 = tpu.memref_slice %arg11[%dma_wait3A_84, %dma_wait3A_85] : memref<10240x128xf32, #tpu.memory_space<vmem_shared>> -> memref<10240x128xf32, #tpu.memory_space<vmem_shared>>
        tpu.wait_indirect_dma semaphore(%run_scoped3A : memref<!tpu.dma_semaphore, #tpu.memory_space<semaphore_mem>>) src(%arg9 : memref<128x128xf32, #tpu.memory_space<vmem>>) dst(%dma_wait3A_86 : memref<10240x128xf32, #tpu.memory_space<vmem_shared>>)
        tpu.yield
      }) : () -> ()
      %add3A_63 = arith.constant 2 : i32
      %add3A_64 = arith.addi %mul3A_49, %add3A_63 : i32
      %lt3A = arith.constant 40 : i32
      %lt3A_65 = arith.cmpi slt, %add3A_64, %lt3A : i32
      %convert_element_type3A = arith.extui %lt3A_65 : i1 to i32
      %cond3A = arith.constant 0 : i32
      %cond3A_66 = arith.cmpi ne, %convert_element_type3A, %cond3A : i32
      scf.if %cond3A_66 {
        %add3A_75 = arith.constant 2 : i32
        %add3A_76 = arith.addi %mul3A_49, %add3A_75 : i32
        %mul3A_77 = arith.constant 128 : i32
        %mul3A_78 = arith.muli %add3A_76, %mul3A_77 : i32
        %dma_start3A_79 = tpu.memref_slice %arg7[%mul3A_78] : memref<5120xi32, #tpu.memory_space<vmem>> -> memref<128xi32, #tpu.memory_space<vmem>>
        %dma_start3A_80 = arith.constant 0 : i32
        %dma_start3A_81 = arith.constant 0 : i32
        %dma_start3A_82 = tpu.memref_slice %arg2[%dma_start3A_80, %dma_start3A_81] : memref<20480x128xf32, #tpu.memory_space<hbm>> -> memref<20480x128xf32, #tpu.memory_space<hbm>>
        tpu.enqueue_indirect_dma source(%dma_start3A_82 : memref<20480x128xf32, #tpu.memory_space<hbm>>) target(%arg9 : memref<128x128xf32, #tpu.memory_space<vmem>>) offsets(%dma_start3A_79 : memref<128xi32, #tpu.memory_space<vmem>>) semaphore(%arg12 : memref<!tpu.dma_semaphore, #tpu.memory_space<semaphore_mem>>)
      } else {
      }
      %dma_wait3A_67 = arith.constant 0 : i32
      %dma_wait3A_68 = arith.constant 0 : i32
      %dma_wait3A_69 = tpu.memref_slice %arg2[%dma_wait3A_67, %dma_wait3A_68] : memref<20480x128xf32, #tpu.memory_space<hbm>> -> memref<128x128xf32, #tpu.memory_space<hbm>>
      %dma_wait3A_70 = arith.constant 0 : i32
      %dma_wait3A_71 = arith.constant 0 : i32
      %dma_wait3A_72 = tpu.memref_slice %arg2[%dma_wait3A_70, %dma_wait3A_71] : memref<20480x128xf32, #tpu.memory_space<hbm>> -> memref<128x128xf32, #tpu.memory_space<hbm>>
      tpu.wait_dma2 semaphore(%arg13 : memref<!tpu.dma_semaphore, #tpu.memory_space<semaphore_mem>>) src(%dma_wait3A_72 : memref<128x128xf32, #tpu.memory_space<hbm>>) dst(%arg10 : memref<128x128xf32, #tpu.memory_space<vmem>>)
      %add3A_73 = arith.constant 1 : i32
      %add3A_74 = arith.addi %mul3A_49, %add3A_73 : i32
      "tpu.region"() ({
        %run_scoped3A = tpu.sem_alloc : memref<!tpu.dma_semaphore, #tpu.memory_space<semaphore_mem>>
        %dma_start3A_75 = arith.constant 0 : i32
        %dma_start3A_76 = tpu.memref_slice %arg8[%add3A_74, %dma_start3A_75] : memref<40x128xi32, #tpu.memory_space<vmem>> -> memref<1x128xi32, #tpu.memory_space<vmem>>
        %dma_start3A_77 = tpu.memref_squeeze %dma_start3A_76 : memref<1x128xi32, #tpu.memory_space<vmem>> -> memref<128xi32, #tpu.memory_space<vmem>>
        %dma_start3A_78 = arith.constant 0 : i32
        %dma_start3A_79 = arith.constant 0 : i32
        %dma_start3A_80 = tpu.memref_slice %arg11[%dma_start3A_78, %dma_start3A_79] : memref<10240x128xf32, #tpu.memory_space<vmem_shared>> -> memref<10240x128xf32, #tpu.memory_space<vmem_shared>>
        tpu.enqueue_indirect_dma source(%arg10 : memref<128x128xf32, #tpu.memory_space<vmem>>) target(%dma_start3A_80 : memref<10240x128xf32, #tpu.memory_space<vmem_shared>>) offsets(%dma_start3A_77 : memref<128xi32, #tpu.memory_space<vmem>>) semaphore(%run_scoped3A : memref<!tpu.dma_semaphore, #tpu.memory_space<semaphore_mem>>) {add = true}
        %dma_wait3A_81 = arith.constant 0 : i32
        %dma_wait3A_82 = tpu.memref_slice %arg8[%add3A_74, %dma_wait3A_81] : memref<40x128xi32, #tpu.memory_space<vmem>> -> memref<1x128xi32, #tpu.memory_space<vmem>>
        %dma_wait3A_83 = tpu.memref_squeeze %dma_wait3A_82 : memref<1x128xi32, #tpu.memory_space<vmem>> -> memref<128xi32, #tpu.memory_space<vmem>>
        %dma_wait3A_84 = arith.constant 0 : i32
        %dma_wait3A_85 = arith.constant 0 : i32
        %dma_wait3A_86 = tpu.memref_slice %arg11[%dma_wait3A_84, %dma_wait3A_85] : memref<10240x128xf32, #tpu.memory_space<vmem_shared>> -> memref<10240x128xf32, #tpu.memory_space<vmem_shared>>
        tpu.wait_indirect_dma semaphore(%run_scoped3A : memref<!tpu.dma_semaphore, #tpu.memory_space<semaphore_mem>>) src(%arg10 : memref<128x128xf32, #tpu.memory_space<vmem>>) dst(%dma_wait3A_86 : memref<10240x128xf32, #tpu.memory_space<vmem_shared>>)
        tpu.yield
      }) : () -> ()
    }
    %scan3A_38 = arith.constant 20 : i32
    %barrier3A_39 = arith.constant 0 : index
    tpu.barrier barrier_id(%barrier3A_39)
    %mul3A_40 = arith.constant 640 : i32
    %mul3A_41 = arith.muli %arg1, %mul3A_40 : i32
    %mul3A_42 = arith.constant 10240 : i32
    %mul3A_43 = arith.muli %arg0, %mul3A_42 : i32
    %mul3A_44 = arith.constant 640 : i32
    %mul3A_45 = arith.muli %arg1, %mul3A_44 : i32
    %add3A_46 = arith.addi %mul3A_43, %mul3A_45 : i32
    "tpu.region"() ({
      %run_scoped3A = tpu.sem_alloc : memref<!tpu.dma_semaphore, #tpu.memory_space<semaphore_mem>>
      %dma_start3A_47 = arith.constant 0 : i32
      %dma_start3A_48 = tpu.memref_slice %arg6[%add3A_46, %dma_start3A_47] : memref<20480x128xf32, #tpu.memory_space<hbm>> -> memref<640x128xf32, #tpu.memory_space<hbm>>
      %dma_start3A_49 = arith.constant 0 : i32
      %dma_start3A_50 = tpu.memref_slice %arg11[%mul3A_41, %dma_start3A_49] : memref<10240x128xf32, #tpu.memory_space<vmem_shared>> -> memref<640x128xf32, #tpu.memory_space<vmem_shared>>
      tpu.enqueue_dma source(%dma_start3A_50 : memref<640x128xf32, #tpu.memory_space<vmem_shared>>) target(%dma_start3A_48 : memref<640x128xf32, #tpu.memory_space<hbm>>) target_semaphore(%run_scoped3A : memref<!tpu.dma_semaphore, #tpu.memory_space<semaphore_mem>>)
      %dma_wait3A = arith.constant 0 : i32
      %dma_wait3A_51 = tpu.memref_slice %arg6[%add3A_46, %dma_wait3A] : memref<20480x128xf32, #tpu.memory_space<hbm>> -> memref<640x128xf32, #tpu.memory_space<hbm>>
      %dma_wait3A_52 = arith.constant 0 : i32
      %dma_wait3A_53 = tpu.memref_slice %arg11[%mul3A_41, %dma_wait3A_52] : memref<10240x128xf32, #tpu.memory_space<vmem_shared>> -> memref<640x128xf32, #tpu.memory_space<vmem_shared>>
      tpu.wait_dma2 semaphore(%run_scoped3A : memref<!tpu.dma_semaphore, #tpu.memory_space<semaphore_mem>>) src(%dma_wait3A_53 : memref<640x128xf32, #tpu.memory_space<vmem_shared>>) dst(%dma_wait3A_51 : memref<640x128xf32, #tpu.memory_space<hbm>>)
      tpu.yield
    }) : () -> ()
    return
  }
}

module attributes {stable_mosaic.version = 14 : i64} {
  func.func @_prep_body(%arg0: i32, %arg1: i32, %arg2: memref<1x1024x128xf32, #tpu.memory_space<vmem>>, %arg3: memref<128x128xf32, #tpu.memory_space<vmem>>, %arg4: memref<1x1024x128xf32, #tpu.memory_space<vmem>>, %arg5: memref<1x1024x128xf32, #tpu.memory_space<vmem>>, %arg6: memref<1x1024x128xf32, #tpu.memory_space<vmem>>) attributes {dimension_semantics = [#tpu.dimension_semantics<arbitrary>, #tpu.dimension_semantics<arbitrary>], iteration_bounds = array<i64: 2, 10>, scalar_prefetch = 0 : i64, scratch_operands = 0 : i64, tpu.core_type = #tpu.core_type<tc>, window_params = [{transform_indices = @transform_0, window_bounds = array<i64: 1, 1024, 128>}, {pipeline_mode = #tpu.pipeline_mode<synchronous>, transform_indices = @transform_1, window_bounds = array<i64: 128, 128>}, {transform_indices = @transform_2, window_bounds = array<i64: 1, 1024, 128>}, {transform_indices = @transform_3, window_bounds = array<i64: 1, 1024, 128>}, {transform_indices = @transform_4, window_bounds = array<i64: 1, 1024, 128>}]} {
    %get3A = arith.constant 0 : index
    %get3A_0 = arith.constant 0 : index
    %get3A_1 = arith.constant 0 : index
    %get3A_2 = vector.load %arg2[%get3A, %get3A_0, %get3A_1] : memref<1x1024x128xf32, #tpu.memory_space<vmem>>, vector<1x1024x128xf32>
    %get3A_3 = vector.shape_cast %get3A_2 : vector<1x1024x128xf32> to vector<1024x128xf32>
    %get3A_4 = arith.constant 0 : index
    %get3A_5 = arith.constant 0 : index
    %get3A_6 = vector.load %arg3[%get3A_4, %get3A_5] : memref<128x128xf32, #tpu.memory_space<vmem>>, vector<128x128xf32>
    %get3A_7 = arith.constant 0 : index
    %get3A_8 = arith.constant 0 : index
    %get3A_9 = arith.constant 0 : index
    %get3A_10 = vector.load %arg4[%get3A_7, %get3A_8, %get3A_9] : memref<1x1024x128xf32, #tpu.memory_space<vmem>>, vector<1x1024x128xf32>
    %get3A_11 = vector.shape_cast %get3A_10 : vector<1x1024x128xf32> to vector<1024x128xf32>
    %reduce_sum3A = arith.constant dense<0.000000e+00> : vector<1024xf32>
    %reduce_sum3A_12 = vector.multi_reduction <add>, %get3A_11, %reduce_sum3A [1] : vector<1024x128xf32> to vector<1024xf32>
    %broadcast_in_dim3A = vector.shape_cast %reduce_sum3A_12 : vector<1024xf32> to vector<1024x1xf32>
    %add3A = arith.constant 1.000000e+00 : f32
    %add3A_13 = vector.broadcast %add3A : f32 to vector<1024x1xf32>
    %add3A_14 = arith.addf %broadcast_in_dim3A, %add3A_13 : vector<1024x1xf32>
    %rsqrt3A = math.rsqrt %add3A_14 : vector<1024x1xf32>
    %dot_general3A = arith.constant dense<0.000000e+00> : vector<1024x128xf32>
    %dot_general3A_15 = tpu.matmul %get3A_3, %get3A_6, %dot_general3A {dimension_numbers = #tpu.dot_dimension_numbers<[1], [0], [0], [1], [0, 0, 1, 1], [], []>, transpose_lhs_hint = false} : vector<1024x128xf32>, vector<128x128xf32>, vector<1024x128xf32> -> vector<1024x128xf32>
    %swap3A = arith.constant 0 : index
    %swap3A_16 = arith.constant 0 : index
    %swap3A_17 = arith.constant 0 : index
    %swap3A_18 = vector.load %arg5[%swap3A, %swap3A_16, %swap3A_17] : memref<1x1024x128xf32, #tpu.memory_space<vmem>>, vector<1x1024x128xf32>
    %swap3A_19 = vector.shape_cast %swap3A_18 : vector<1x1024x128xf32> to vector<1024x128xf32>
    %swap3A_20 = vector.shape_cast %dot_general3A_15 : vector<1024x128xf32> to vector<1x1024x128xf32>
    tpu.vector_store %arg5[%swap3A, %swap3A_16, %swap3A_17], %swap3A_20 {strides = array<i32>} : memref<1x1024x128xf32, #tpu.memory_space<vmem>>, vector<1x1024x128xf32>,
    %mul3A = vector.broadcast %rsqrt3A : vector<1024x1xf32> to vector<1024x128xf32>
    %mul3A_21 = arith.mulf %dot_general3A_15, %mul3A : vector<1024x128xf32>
    %swap3A_22 = arith.constant 0 : index
    %swap3A_23 = arith.constant 0 : index
    %swap3A_24 = arith.constant 0 : index
    %swap3A_25 = vector.load %arg6[%swap3A_22, %swap3A_23, %swap3A_24] : memref<1x1024x128xf32, #tpu.memory_space<vmem>>, vector<1x1024x128xf32>
    %swap3A_26 = vector.shape_cast %swap3A_25 : vector<1x1024x128xf32> to vector<1024x128xf32>
    %swap3A_27 = vector.shape_cast %mul3A_21 : vector<1024x128xf32> to vector<1x1024x128xf32>
    tpu.vector_store %arg6[%swap3A_22, %swap3A_23, %swap3A_24], %swap3A_27 {strides = array<i32>} : memref<1x1024x128xf32, #tpu.memory_space<vmem>>, vector<1x1024x128xf32>,
    return
  }
  func.func @transform_0(%arg0: i32, %arg1: i32) -> (i32, i32, i32) {
    %c0_i32 = arith.constant 0 : i32
    %c0_i32_0 = arith.constant 0 : i32
    return %arg0, %arg1, %c0_i32 : i32, i32, i32
  }
  func.func @transform_1(%arg0: i32, %arg1: i32) -> (i32, i32) {
    %c0_i32 = arith.constant 0 : i32
    %c0_i32_0 = arith.constant 0 : i32
    %c0_i32_1 = arith.constant 0 : i32
    return %c0_i32, %c0_i32_0 : i32, i32
  }
  func.func @transform_2(%arg0: i32, %arg1: i32) -> (i32, i32, i32) {
    %c0_i32 = arith.constant 0 : i32
    %c0_i32_0 = arith.constant 0 : i32
    return %arg0, %arg1, %c0_i32 : i32, i32, i32
  }
  func.func @transform_3(%arg0: i32, %arg1: i32) -> (i32, i32, i32) {
    %c0_i32 = arith.constant 0 : i32
    %c0_i32_0 = arith.constant 0 : i32
    return %arg0, %arg1, %c0_i32 : i32, i32, i32
  }
  func.func @transform_4(%arg0: i32, %arg1: i32) -> (i32, i32, i32) {
    %c0_i32 = arith.constant 0 : i32
    %c0_i32_0 = arith.constant 0 : i32
    return %arg0, %arg1, %c0_i32 : i32, i32, i32
  }
}

module attributes {stable_mosaic.version = 14 : i64} {
  func.func @_epi_body(%arg0: i32, %arg1: i32, %arg2: memref<1x1024x128xf32, #tpu.memory_space<vmem>>, %arg3: memref<1x1024x128xf32, #tpu.memory_space<vmem>>, %arg4: memref<1x1024x128xf32, #tpu.memory_space<vmem>>, %arg5: memref<1x128xf32, #tpu.memory_space<vmem>>, %arg6: memref<128x128xf32, #tpu.memory_space<vmem>>, %arg7: memref<1x128xf32, #tpu.memory_space<vmem>>, %arg8: memref<128x128xf32, #tpu.memory_space<vmem>>, %arg9: memref<1x128xf32, #tpu.memory_space<vmem>>, %arg10: memref<1x1024x128xf32, #tpu.memory_space<vmem>>) attributes {dimension_semantics = [#tpu.dimension_semantics<arbitrary>, #tpu.dimension_semantics<arbitrary>], iteration_bounds = array<i64: 2, 10>, scalar_prefetch = 0 : i64, scratch_operands = 0 : i64, tpu.core_type = #tpu.core_type<tc>, window_params = [{transform_indices = @transform_0, window_bounds = array<i64: 1, 1024, 128>}, {transform_indices = @transform_1, window_bounds = array<i64: 1, 1024, 128>}, {transform_indices = @transform_2, window_bounds = array<i64: 1, 1024, 128>}, {pipeline_mode = #tpu.pipeline_mode<synchronous>, transform_indices = @transform_3, window_bounds = array<i64: 1, 128>}, {pipeline_mode = #tpu.pipeline_mode<synchronous>, transform_indices = @transform_4, window_bounds = array<i64: 128, 128>}, {pipeline_mode = #tpu.pipeline_mode<synchronous>, transform_indices = @transform_5, window_bounds = array<i64: 1, 128>}, {pipeline_mode = #tpu.pipeline_mode<synchronous>, transform_indices = @transform_6, window_bounds = array<i64: 128, 128>}, {pipeline_mode = #tpu.pipeline_mode<synchronous>, transform_indices = @transform_7, window_bounds = array<i64: 1, 128>}, {transform_indices = @transform_8, window_bounds = array<i64: 1, 1024, 128>}]} {
    %get3A = arith.constant 0 : index
    %get3A_0 = arith.constant 0 : index
    %get3A_1 = arith.constant 0 : index
    %get3A_2 = vector.load %arg4[%get3A, %get3A_0, %get3A_1] : memref<1x1024x128xf32, #tpu.memory_space<vmem>>, vector<1x1024x128xf32>
    %get3A_3 = vector.shape_cast %get3A_2 : vector<1x1024x128xf32> to vector<1024x128xf32>
    %reduce_sum3A = arith.constant dense<0.000000e+00> : vector<1024xf32>
    %reduce_sum3A_4 = vector.multi_reduction <add>, %get3A_3, %reduce_sum3A [1] : vector<1024x128xf32> to vector<1024xf32>
    %broadcast_in_dim3A = vector.shape_cast %reduce_sum3A_4 : vector<1024xf32> to vector<1024x1xf32>
    %add3A = arith.constant 1.000000e+00 : f32
    %add3A_5 = vector.broadcast %add3A : f32 to vector<1024x1xf32>
    %add3A_6 = arith.addf %broadcast_in_dim3A, %add3A_5 : vector<1024x1xf32>
    %rsqrt3A = math.rsqrt %add3A_6 : vector<1024x1xf32>
    %get3A_7 = arith.constant 0 : index
    %get3A_8 = arith.constant 0 : index
    %get3A_9 = arith.constant 0 : index
    %get3A_10 = vector.load %arg2[%get3A_7, %get3A_8, %get3A_9] : memref<1x1024x128xf32, #tpu.memory_space<vmem>>, vector<1x1024x128xf32>
    %get3A_11 = vector.shape_cast %get3A_10 : vector<1x1024x128xf32> to vector<1024x128xf32>
    %get3A_12 = arith.constant 0 : index
    %get3A_13 = arith.constant 0 : index
    %get3A_14 = arith.constant 0 : index
    %get3A_15 = vector.load %arg3[%get3A_12, %get3A_13, %get3A_14] : memref<1x1024x128xf32, #tpu.memory_space<vmem>>, vector<1x1024x128xf32>
    %get3A_16 = vector.shape_cast %get3A_15 : vector<1x1024x128xf32> to vector<1024x128xf32>
    %mul3A = vector.broadcast %rsqrt3A : vector<1024x1xf32> to vector<1024x128xf32>
    %mul3A_17 = arith.mulf %get3A_16, %mul3A : vector<1024x128xf32>
    %mul3A_18 = arith.mulf %rsqrt3A, %rsqrt3A : vector<1024x1xf32>
    %mul3A_19 = vector.broadcast %mul3A_18 : vector<1024x1xf32> to vector<1024x128xf32>
    %mul3A_20 = arith.mulf %get3A_11, %mul3A_19 : vector<1024x128xf32>
    %add3A_21 = arith.addf %mul3A_17, %mul3A_20 : vector<1024x128xf32>
    %get3A_22 = arith.constant 0 : index
    %get3A_23 = arith.constant 0 : index
    %get3A_24 = vector.load %arg5[%get3A_22, %get3A_23] : memref<1x128xf32, #tpu.memory_space<vmem>>, vector<1x128xf32>
    %add3A_25 = vector.broadcast %get3A_24 : vector<1x128xf32> to vector<1024x128xf32>
    %add3A_26 = arith.addf %add3A_21, %add3A_25 : vector<1024x128xf32>
    %get3A_27 = arith.constant 0 : index
    %get3A_28 = arith.constant 0 : index
    %get3A_29 = vector.load %arg6[%get3A_27, %get3A_28] : memref<128x128xf32, #tpu.memory_space<vmem>>, vector<128x128xf32>
    %dot_general3A = arith.constant dense<0.000000e+00> : vector<1024x128xf32>
    %dot_general3A_30 = tpu.matmul %add3A_26, %get3A_29, %dot_general3A {dimension_numbers = #tpu.dot_dimension_numbers<[1], [0], [0], [1], [0, 0, 1, 1], [], []>, transpose_lhs_hint = false} : vector<1024x128xf32>, vector<128x128xf32>, vector<1024x128xf32> -> vector<1024x128xf32>
    %get3A_31 = arith.constant 0 : index
    %get3A_32 = arith.constant 0 : index
    %get3A_33 = vector.load %arg7[%get3A_31, %get3A_32] : memref<1x128xf32, #tpu.memory_space<vmem>>, vector<1x128xf32>
    %add3A_34 = vector.broadcast %get3A_33 : vector<1x128xf32> to vector<1024x128xf32>
    %add3A_35 = arith.addf %dot_general3A_30, %add3A_34 : vector<1024x128xf32>
    %gt3A = arith.constant 0.000000e+00 : f32
    %gt3A_36 = vector.broadcast %gt3A : f32 to vector<1024x128xf32>
    %gt3A_37 = arith.cmpf ogt, %add3A_35, %gt3A_36 : vector<1024x128xf32>
    %exp3A = math.exp %add3A_35 : vector<1024x128xf32>
    %sub3A = arith.constant 1.000000e+00 : f32
    %sub3A_38 = vector.broadcast %sub3A : f32 to vector<1024x128xf32>
    %sub3A_39 = arith.subf %exp3A, %sub3A_38 : vector<1024x128xf32>
    %select_n3A = arith.select %gt3A_37, %add3A_35, %sub3A_39 : vector<1024x128xi1>, vector<1024x128xf32>
    %get3A_40 = arith.constant 0 : index
    %get3A_41 = arith.constant 0 : index
    %get3A_42 = vector.load %arg8[%get3A_40, %get3A_41] : memref<128x128xf32, #tpu.memory_space<vmem>>, vector<128x128xf32>
    %dot_general3A_43 = arith.constant dense<0.000000e+00> : vector<1024x128xf32>
    %dot_general3A_44 = tpu.matmul %select_n3A, %get3A_42, %dot_general3A_43 {dimension_numbers = #tpu.dot_dimension_numbers<[1], [0], [0], [1], [0, 0, 1, 1], [], []>, transpose_lhs_hint = false} : vector<1024x128xf32>, vector<128x128xf32>, vector<1024x128xf32> -> vector<1024x128xf32>
    %get3A_45 = arith.constant 0 : index
    %get3A_46 = arith.constant 0 : index
    %get3A_47 = vector.load %arg9[%get3A_45, %get3A_46] : memref<1x128xf32, #tpu.memory_space<vmem>>, vector<1x128xf32>
    %add3A_48 = vector.broadcast %get3A_47 : vector<1x128xf32> to vector<1024x128xf32>
    %add3A_49 = arith.addf %dot_general3A_44, %add3A_48 : vector<1024x128xf32>
    %mul3A_50 = arith.mulf %add3A_49, %add3A_49 : vector<1024x128xf32>
    %reduce_sum3A_51 = arith.constant dense<0.000000e+00> : vector<1024xf32>
    %reduce_sum3A_52 = vector.multi_reduction <add>, %mul3A_50, %reduce_sum3A_51 [1] : vector<1024x128xf32> to vector<1024xf32>
    %broadcast_in_dim3A_53 = vector.shape_cast %reduce_sum3A_52 : vector<1024xf32> to vector<1024x1xf32>
    %sqrt3A = math.sqrt %broadcast_in_dim3A_53 : vector<1024x1xf32>
    %max3A = arith.constant 9.99999996E-13 : f32
    %max3A_54 = vector.broadcast %max3A : f32 to vector<1024x1xf32>
    %max3A_55 = arith.maximumf %sqrt3A, %max3A_54 : vector<1024x1xf32>
    %div3A = vector.broadcast %max3A_55 : vector<1024x1xf32> to vector<1024x128xf32>
    %div3A_56 = arith.divf %add3A_49, %div3A : vector<1024x128xf32>
    %mul3A_57 = arith.constant 1024 : i32
    %mul3A_58 = arith.muli %arg1, %mul3A_57 : i32
    %iota3A = tpu.iota {dimensions = array<i32: 0>} : vector<1024x1xi32>
    %add3A_59 = vector.broadcast %mul3A_58 : i32 to vector<1024x1xi32>
    %add3A_60 = arith.addi %add3A_59, %iota3A : vector<1024x1xi32>
    %lt3A = arith.constant 10000 : i32
    %lt3A_61 = vector.broadcast %lt3A : i32 to vector<1024x1xi32>
    %lt3A_62 = arith.cmpi slt, %add3A_60, %lt3A_61 : vector<1024x1xi32>
    %jit3A = arith.constant 0.000000e+00 : f32
    %broadcast_in_dim3A_63 = vector.shape_cast %lt3A_62 : vector<1024x1xi1> to vector<1024x1xi1>
    %broadcast_in_dim3A_64 = vector.broadcast %broadcast_in_dim3A_63 : vector<1024x1xi1> to vector<1024x128xi1>
    %broadcast_in_dim3A_65 = vector.broadcast %jit3A : f32 to vector<1024x128xf32>
    %select_n3A_66 = arith.select %broadcast_in_dim3A_64, %div3A_56, %broadcast_in_dim3A_65 : vector<1024x128xi1>, vector<1024x128xf32>
    %swap3A = arith.constant 0 : index
    %swap3A_67 = arith.constant 0 : index
    %swap3A_68 = arith.constant 0 : index
    %swap3A_69 = vector.load %arg10[%swap3A, %swap3A_67, %swap3A_68] : memref<1x1024x128xf32, #tpu.memory_space<vmem>>, vector<1x1024x128xf32>
    %swap3A_70 = vector.shape_cast %swap3A_69 : vector<1x1024x128xf32> to vector<1024x128xf32>
    %swap3A_71 = vector.shape_cast %select_n3A_66 : vector<1024x128xf32> to vector<1x1024x128xf32>
    tpu.vector_store %arg10[%swap3A, %swap3A_67, %swap3A_68], %swap3A_71 {strides = array<i32>} : memref<1x1024x128xf32, #tpu.memory_space<vmem>>, vector<1x1024x128xf32>,
    return
  }
  func.func @transform_0(%arg0: i32, %arg1: i32) -> (i32, i32, i32) {
    %c0_i32 = arith.constant 0 : i32
    %c0_i32_0 = arith.constant 0 : i32
    return %arg0, %arg1, %c0_i32 : i32, i32, i32
  }
  func.func @transform_1(%arg0: i32, %arg1: i32) -> (i32, i32, i32) {
    %c0_i32 = arith.constant 0 : i32
    %c0_i32_0 = arith.constant 0 : i32
    return %arg0, %arg1, %c0_i32 : i32, i32, i32
  }
  func.func @transform_2(%arg0: i32, %arg1: i32) -> (i32, i32, i32) {
    %c0_i32 = arith.constant 0 : i32
    %c0_i32_0 = arith.constant 0 : i32
    return %arg0, %arg1, %c0_i32 : i32, i32, i32
  }
  func.func @transform_3(%arg0: i32, %arg1: i32) -> (i32, i32) {
    %c0_i32 = arith.constant 0 : i32
    %c0_i32_0 = arith.constant 0 : i32
    %c0_i32_1 = arith.constant 0 : i32
    return %c0_i32, %c0_i32_0 : i32, i32
  }
  func.func @transform_4(%arg0: i32, %arg1: i32) -> (i32, i32) {
    %c0_i32 = arith.constant 0 : i32
    %c0_i32_0 = arith.constant 0 : i32
    %c0_i32_1 = arith.constant 0 : i32
    return %c0_i32, %c0_i32_0 : i32, i32
  }
  func.func @transform_5(%arg0: i32, %arg1: i32) -> (i32, i32) {
    %c0_i32 = arith.constant 0 : i32
    %c0_i32_0 = arith.constant 0 : i32
    %c0_i32_1 = arith.constant 0 : i32
    return %c0_i32, %c0_i32_0 : i32, i32
  }
  func.func @transform_6(%arg0: i32, %arg1: i32) -> (i32, i32) {
    %c0_i32 = arith.constant 0 : i32
    %c0_i32_0 = arith.constant 0 : i32
    %c0_i32_1 = arith.constant 0 : i32
    return %c0_i32, %c0_i32_0 : i32, i32
  }
  func.func @transform_7(%arg0: i32, %arg1: i32) -> (i32, i32) {
    %c0_i32 = arith.constant 0 : i32
    %c0_i32_0 = arith.constant 0 : i32
    %c0_i32_1 = arith.constant 0 : i32
    return %c0_i32, %c0_i32_0 : i32, i32
  }
  func.func @transform_8(%arg0: i32, %arg1: i32) -> (i32, i32, i32) {
    %c0_i32 = arith.constant 0 : i32
    %c0_i32_0 = arith.constant 0 : i32
    return %arg0, %arg1, %c0_i32 : i32, i32, i32
  }
}

module attributes {stable_mosaic.version = 14 : i64} {
  func.func @_flash_body(%arg0: i32, %arg1: i32, %arg2: memref<1024x128xbf16, #tpu.memory_space<vmem>>, %arg3: memref<1024x128xbf16, #tpu.memory_space<vmem>>, %arg4: memref<1024x128xbf16, #tpu.memory_space<vmem>>, %arg5: memref<1024x128xbf16, #tpu.memory_space<vmem>>, %arg6: memref<1x1x1024xf32, #tpu.memory_space<vmem>>, %arg7: memref<1024x1xf32, #tpu.memory_space<vmem>>, %arg8: memref<1024x1xf32, #tpu.memory_space<vmem>>, %arg9: memref<1024x1xf32, #tpu.memory_space<vmem>>, %arg10: memref<1x1024xf32, #tpu.memory_space<vmem>>, %arg11: memref<1024x1xf32, #tpu.memory_space<vmem>>, %arg12: memref<1x1024xf32, #tpu.memory_space<vmem>>, %arg13: memref<10240x1xf32, #tpu.memory_space<vmem>>) attributes {dimension_semantics = [#tpu.dimension_semantics<arbitrary>, #tpu.dimension_semantics<arbitrary>], iteration_bounds = array<i64: 10, 10>, scalar_prefetch = 0 : i64, scratch_operands = 4 : i64, tpu.core_type = #tpu.core_type<tc>, window_params = [{transform_indices = @transform_0, window_bounds = array<i64: 1024, 128>}, {transform_indices = @transform_1, window_bounds = array<i64: 1024, 128>}, {transform_indices = @transform_2, window_bounds = array<i64: 1024, 128>}, {transform_indices = @transform_3, window_bounds = array<i64: 1024, 128>}, {transform_indices = @transform_4, window_bounds = array<i64: 1, 1, 1024>}, {transform_indices = @transform_5, window_bounds = array<i64: 1024, 1>}, {transform_indices = @transform_6, window_bounds = array<i64: 1024, 1>}, {transform_indices = @transform_7, window_bounds = array<i64: 1024, 1>}]} {
    %get3A = arith.constant 0 : index
    %get3A_0 = arith.constant 0 : index
    %get3A_1 = vector.load %arg2[%get3A, %get3A_0] : memref<1024x128xbf16, #tpu.memory_space<vmem>>, vector<1024x128xbf16>
    %get3A_2 = arith.constant 0 : index
    %get3A_3 = arith.constant 0 : index
    %get3A_4 = vector.load %arg3[%get3A_2, %get3A_3] : memref<1024x128xbf16, #tpu.memory_space<vmem>>, vector<1024x128xbf16>
    %get3A_5 = arith.constant 0 : index
    %get3A_6 = arith.constant 0 : index
    %get3A_7 = vector.load %arg4[%get3A_5, %get3A_6] : memref<1024x128xbf16, #tpu.memory_space<vmem>>, vector<1024x128xbf16>
    %get3A_8 = arith.constant 0 : index
    %get3A_9 = arith.constant 0 : index
    %get3A_10 = vector.load %arg5[%get3A_8, %get3A_9] : memref<1024x128xbf16, #tpu.memory_space<vmem>>, vector<1024x128xbf16>
    %dot_general3A = arith.constant dense<0.000000e+00> : vector<1024x1024xf32>
    %dot_general3A_11 = tpu.matmul %get3A_7, %get3A_1, %dot_general3A {dimension_numbers = #tpu.dot_dimension_numbers<[1], [1], [0], [0], [0, 0, 1, 0], [], []>, transpose_lhs_hint = false} : vector<1024x128xbf16>, vector<1024x128xbf16>, vector<1024x1024xf32> -> vector<1024x1024xf32>
    %mul3A = arith.constant 2.000000e+00 : f32
    %mul3A_12 = vector.broadcast %mul3A : f32 to vector<1024x1024xf32>
    %mul3A_13 = arith.mulf %dot_general3A_11, %mul3A_12 : vector<1024x1024xf32>
    %exp3A = math.exp %mul3A_13 : vector<1024x1024xf32>
    %dot_general3A_14 = arith.constant dense<0.000000e+00> : vector<1024x1024xf32>
    %dot_general3A_15 = tpu.matmul %get3A_4, %get3A_10, %dot_general3A_14 {dimension_numbers = #tpu.dot_dimension_numbers<[1], [1], [0], [0], [0, 0, 1, 0], [], []>, transpose_lhs_hint = false} : vector<1024x128xbf16>, vector<1024x128xbf16>, vector<1024x1024xf32> -> vector<1024x1024xf32>
    %mul3A_16 = arith.constant 2.000000e+00 : f32
    %mul3A_17 = vector.broadcast %mul3A_16 : f32 to vector<1024x1024xf32>
    %mul3A_18 = arith.mulf %dot_general3A_15, %mul3A_17 : vector<1024x1024xf32>
    %exp3A_19 = math.exp %mul3A_18 : vector<1024x1024xf32>
    %dot_general3A_20 = arith.constant dense<0.000000e+00> : vector<1024x1024xf32>
    %dot_general3A_21 = tpu.matmul %get3A_10, %get3A_1, %dot_general3A_20 {dimension_numbers = #tpu.dot_dimension_numbers<[1], [1], [0], [0], [0, 0, 1, 0], [], []>, transpose_lhs_hint = false} : vector<1024x128xbf16>, vector<1024x128xbf16>, vector<1024x1024xf32> -> vector<1024x1024xf32>
    %mul3A_22 = arith.constant 2.000000e+00 : f32
    %mul3A_23 = vector.broadcast %mul3A_22 : f32 to vector<1024x1024xf32>
    %mul3A_24 = arith.mulf %dot_general3A_21, %mul3A_23 : vector<1024x1024xf32>
    %exp3A_25 = math.exp %mul3A_24 : vector<1024x1024xf32>
    %reduce_sum3A = arith.constant dense<0.000000e+00> : vector<1024xf32>
    %reduce_sum3A_26 = vector.multi_reduction <add>, %exp3A, %reduce_sum3A [0] : vector<1024x1024xf32> to vector<1024xf32>
    %broadcast_in_dim3A = vector.shape_cast %reduce_sum3A_26 : vector<1024xf32> to vector<1x1024xf32>
    %reduce_sum3A_27 = arith.constant dense<0.000000e+00> : vector<1024xf32>
    %reduce_sum3A_28 = vector.multi_reduction <add>, %exp3A_19, %reduce_sum3A_27 [1] : vector<1024x1024xf32> to vector<1024xf32>
    %broadcast_in_dim3A_29 = vector.shape_cast %reduce_sum3A_28 : vector<1024xf32> to vector<1024x1xf32>
    %reduce_sum3A_30 = arith.constant dense<0.000000e+00> : vector<1024xf32>
    %reduce_sum3A_31 = vector.multi_reduction <add>, %exp3A_25, %reduce_sum3A_30 [0] : vector<1024x1024xf32> to vector<1024xf32>
    %broadcast_in_dim3A_32 = vector.shape_cast %reduce_sum3A_31 : vector<1024xf32> to vector<1x1024xf32>
    %reduce_sum3A_33 = arith.constant dense<0.000000e+00> : vector<1024xf32>
    %reduce_sum3A_34 = vector.multi_reduction <add>, %exp3A_25, %reduce_sum3A_33 [1] : vector<1024x1024xf32> to vector<1024xf32>
    %broadcast_in_dim3A_35 = vector.shape_cast %reduce_sum3A_34 : vector<1024xf32> to vector<1024x1xf32>
    %eq3A = arith.constant 0 : i32
    %eq3A_36 = arith.cmpi eq, %arg1, %eq3A : i32
    %convert_element_type3A = arith.extui %eq3A_36 : i1 to i32
    %cond3A = arith.constant 0 : i32
    %cond3A_37 = arith.cmpi ne, %convert_element_type3A, %cond3A : i32
    scf.if %cond3A_37 {
      %swap3A = arith.constant 0 : index
      %swap3A_62 = arith.constant 0 : index
      %swap3A_63 = vector.load %arg10[%swap3A, %swap3A_62] : memref<1x1024xf32, #tpu.memory_space<vmem>>, vector<1x1024xf32>
      tpu.vector_store %arg10[%swap3A, %swap3A_62], %broadcast_in_dim3A {strides = array<i32>} : memref<1x1024xf32, #tpu.memory_space<vmem>>, vector<1x1024xf32>,
      %swap3A_64 = arith.constant 0 : index
      %swap3A_65 = arith.constant 0 : index
      %swap3A_66 = vector.load %arg11[%swap3A_64, %swap3A_65] : memref<1024x1xf32, #tpu.memory_space<vmem>>, vector<1024x1xf32>
      tpu.vector_store %arg11[%swap3A_64, %swap3A_65], %broadcast_in_dim3A_29 {strides = array<i32>} : memref<1024x1xf32, #tpu.memory_space<vmem>>, vector<1024x1xf32>,
      %swap3A_67 = arith.constant 0 : index
      %swap3A_68 = arith.constant 0 : index
      %swap3A_69 = vector.load %arg12[%swap3A_67, %swap3A_68] : memref<1x1024xf32, #tpu.memory_space<vmem>>, vector<1x1024xf32>
      tpu.vector_store %arg12[%swap3A_67, %swap3A_68], %broadcast_in_dim3A_32 {strides = array<i32>} : memref<1x1024xf32, #tpu.memory_space<vmem>>, vector<1x1024xf32>,
    } else {
    }
    %gt3A = arith.constant 0 : i32
    %gt3A_38 = arith.cmpi sgt, %arg1, %gt3A : i32
    %convert_element_type3A_39 = arith.extui %gt3A_38 : i1 to i32
    %cond3A_40 = arith.constant 0 : i32
    %cond3A_41 = arith.cmpi ne, %convert_element_type3A_39, %cond3A_40 : i32
    scf.if %cond3A_41 {
      %get3A_62 = arith.constant 0 : index
      %get3A_63 = arith.constant 0 : index
      %get3A_64 = vector.load %arg10[%get3A_62, %get3A_63] : memref<1x1024xf32, #tpu.memory_space<vmem>>, vector<1x1024xf32>
      %add3A = arith.addf %get3A_64, %broadcast_in_dim3A : vector<1x1024xf32>
      %swap3A = arith.constant 0 : index
      %swap3A_65 = arith.constant 0 : index
      %swap3A_66 = vector.load %arg10[%swap3A, %swap3A_65] : memref<1x1024xf32, #tpu.memory_space<vmem>>, vector<1x1024xf32>
      tpu.vector_store %arg10[%swap3A, %swap3A_65], %add3A {strides = array<i32>} : memref<1x1024xf32, #tpu.memory_space<vmem>>, vector<1x1024xf32>,
      %get3A_67 = arith.constant 0 : index
      %get3A_68 = arith.constant 0 : index
      %get3A_69 = vector.load %arg11[%get3A_67, %get3A_68] : memref<1024x1xf32, #tpu.memory_space<vmem>>, vector<1024x1xf32>
      %add3A_70 = arith.addf %get3A_69, %broadcast_in_dim3A_29 : vector<1024x1xf32>
      %swap3A_71 = arith.constant 0 : index
      %swap3A_72 = arith.constant 0 : index
      %swap3A_73 = vector.load %arg11[%swap3A_71, %swap3A_72] : memref<1024x1xf32, #tpu.memory_space<vmem>>, vector<1024x1xf32>
      tpu.vector_store %arg11[%swap3A_71, %swap3A_72], %add3A_70 {strides = array<i32>} : memref<1024x1xf32, #tpu.memory_space<vmem>>, vector<1024x1xf32>,
      %get3A_74 = arith.constant 0 : index
      %get3A_75 = arith.constant 0 : index
      %get3A_76 = vector.load %arg12[%get3A_74, %get3A_75] : memref<1x1024xf32, #tpu.memory_space<vmem>>, vector<1x1024xf32>
      %add3A_77 = arith.addf %get3A_76, %broadcast_in_dim3A_32 : vector<1x1024xf32>
      %swap3A_78 = arith.constant 0 : index
      %swap3A_79 = arith.constant 0 : index
      %swap3A_80 = vector.load %arg12[%swap3A_78, %swap3A_79] : memref<1x1024xf32, #tpu.memory_space<vmem>>, vector<1x1024xf32>
      tpu.vector_store %arg12[%swap3A_78, %swap3A_79], %add3A_77 {strides = array<i32>} : memref<1x1024xf32, #tpu.memory_space<vmem>>, vector<1x1024xf32>,
    } else {
    }
    %eq3A_42 = arith.constant 0 : i32
    %eq3A_43 = arith.cmpi eq, %arg0, %eq3A_42 : i32
    %convert_element_type3A_44 = arith.extui %eq3A_43 : i1 to i32
    %cond3A_45 = arith.constant 0 : i32
    %cond3A_46 = arith.cmpi ne, %convert_element_type3A_44, %cond3A_45 : i32
    scf.if %cond3A_46 {
      %mul3A_62 = arith.constant 1024 : i32
      %mul3A_63 = arith.muli %arg1, %mul3A_62 : i32
      %swap3A = arith.index_cast %mul3A_63 : i32 to index
      %swap3A_64 = arith.constant 0 : index
      %swap3A_65 = vector.load %arg13[%swap3A, %swap3A_64] : memref<10240x1xf32, #tpu.memory_space<vmem>>, vector<1024x1xf32>
      tpu.vector_store %arg13[%swap3A, %swap3A_64], %broadcast_in_dim3A_35 {strides = array<i32>} : memref<10240x1xf32, #tpu.memory_space<vmem>>, vector<1024x1xf32>,
    } else {
    }
    %gt3A_47 = arith.constant 0 : i32
    %gt3A_48 = arith.cmpi sgt, %arg0, %gt3A_47 : i32
    %convert_element_type3A_49 = arith.extui %gt3A_48 : i1 to i32
    %cond3A_50 = arith.constant 0 : i32
    %cond3A_51 = arith.cmpi ne, %convert_element_type3A_49, %cond3A_50 : i32
    scf.if %cond3A_51 {
      %mul3A_62 = arith.constant 1024 : i32
      %mul3A_63 = arith.muli %arg1, %mul3A_62 : i32
      %get3A_64 = arith.index_cast %mul3A_63 : i32 to index
      %get3A_65 = arith.constant 0 : index
      %get3A_66 = vector.load %arg13[%get3A_64, %get3A_65] : memref<10240x1xf32, #tpu.memory_space<vmem>>, vector<1024x1xf32>
      %add3A = arith.addf %get3A_66, %broadcast_in_dim3A_35 : vector<1024x1xf32>
      %mul3A_67 = arith.constant 1024 : i32
      %mul3A_68 = arith.muli %arg1, %mul3A_67 : i32
      %swap3A = arith.index_cast %mul3A_68 : i32 to index
      %swap3A_69 = arith.constant 0 : index
      %swap3A_70 = vector.load %arg13[%swap3A, %swap3A_69] : memref<10240x1xf32, #tpu.memory_space<vmem>>, vector<1024x1xf32>
      tpu.vector_store %arg13[%swap3A, %swap3A_69], %add3A {strides = array<i32>} : memref<10240x1xf32, #tpu.memory_space<vmem>>, vector<1024x1xf32>,
    } else {
    }
    %eq3A_52 = arith.constant 9 : i32
    %eq3A_53 = arith.cmpi eq, %arg1, %eq3A_52 : i32
    %convert_element_type3A_54 = arith.extui %eq3A_53 : i1 to i32
    %cond3A_55 = arith.constant 0 : i32
    %cond3A_56 = arith.cmpi ne, %convert_element_type3A_54, %cond3A_55 : i32
    scf.if %cond3A_56 {
      %get3A_62 = arith.constant 0 : index
      %get3A_63 = arith.constant 0 : index
      %get3A_64 = vector.load %arg10[%get3A_62, %get3A_63] : memref<1x1024xf32, #tpu.memory_space<vmem>>, vector<1x1024xf32>
      %get3A_65 = arith.constant 0 : index
      %get3A_66 = arith.constant 0 : index
      %get3A_67 = vector.load %arg12[%get3A_65, %get3A_66] : memref<1x1024xf32, #tpu.memory_space<vmem>>, vector<1x1024xf32>
      %add3A = arith.addf %get3A_64, %get3A_67 : vector<1x1024xf32>
      %reshape3A = vector.shape_cast %add3A : vector<1x1024xf32> to vector<1x1x1024xf32>
      %swap3A = arith.constant 0 : index
      %swap3A_68 = arith.constant 0 : index
      %swap3A_69 = arith.constant 0 : index
      %swap3A_70 = vector.load %arg6[%swap3A, %swap3A_68, %swap3A_69] : memref<1x1x1024xf32, #tpu.memory_space<vmem>>, vector<1x1x1024xf32>
      tpu.vector_store %arg6[%swap3A, %swap3A_68, %swap3A_69], %reshape3A {strides = array<i32>} : memref<1x1x1024xf32, #tpu.memory_space<vmem>>, vector<1x1x1024xf32>,
      %get3A_71 = arith.constant 0 : index
      %get3A_72 = arith.constant 0 : index
      %get3A_73 = vector.load %arg11[%get3A_71, %get3A_72] : memref<1024x1xf32, #tpu.memory_space<vmem>>, vector<1024x1xf32>
      %swap3A_74 = arith.constant 0 : index
      %swap3A_75 = arith.constant 0 : index
      %swap3A_76 = vector.load %arg7[%swap3A_74, %swap3A_75] : memref<1024x1xf32, #tpu.memory_space<vmem>>, vector<1024x1xf32>
      tpu.vector_store %arg7[%swap3A_74, %swap3A_75], %get3A_73 {strides = array<i32>} : memref<1024x1xf32, #tpu.memory_space<vmem>>, vector<1024x1xf32>,
      %convert_element_type3A_77 = arith.extf %get3A_1 : vector<1024x128xbf16> to vector<1024x128xf32>
      %convert_element_type3A_78 = arith.extf %get3A_4 : vector<1024x128xbf16> to vector<1024x128xf32>
      %mul3A_79 = arith.mulf %convert_element_type3A_77, %convert_element_type3A_78 : vector<1024x128xf32>
      %reduce_sum3A_80 = arith.constant dense<0.000000e+00> : vector<1024xf32>
      %reduce_sum3A_81 = vector.multi_reduction <add>, %mul3A_79, %reduce_sum3A_80 [1] : vector<1024x128xf32> to vector<1024xf32>
      %broadcast_in_dim3A_82 = vector.shape_cast %reduce_sum3A_81 : vector<1024xf32> to vector<1024x1xf32>
      %swap3A_83 = arith.constant 0 : index
      %swap3A_84 = arith.constant 0 : index
      %swap3A_85 = vector.load %arg9[%swap3A_83, %swap3A_84] : memref<1024x1xf32, #tpu.memory_space<vmem>>, vector<1024x1xf32>
      tpu.vector_store %arg9[%swap3A_83, %swap3A_84], %broadcast_in_dim3A_82 {strides = array<i32>} : memref<1024x1xf32, #tpu.memory_space<vmem>>, vector<1024x1xf32>,
    } else {
    }
    %eq3A_57 = arith.constant 9 : i32
    %eq3A_58 = arith.cmpi eq, %arg0, %eq3A_57 : i32
    %convert_element_type3A_59 = arith.extui %eq3A_58 : i1 to i32
    %cond3A_60 = arith.constant 0 : i32
    %cond3A_61 = arith.cmpi ne, %convert_element_type3A_59, %cond3A_60 : i32
    scf.if %cond3A_61 {
      %mul3A_62 = arith.constant 1024 : i32
      %mul3A_63 = arith.muli %arg1, %mul3A_62 : i32
      %get3A_64 = arith.index_cast %mul3A_63 : i32 to index
      %get3A_65 = arith.constant 0 : index
      %get3A_66 = vector.load %arg13[%get3A_64, %get3A_65] : memref<10240x1xf32, #tpu.memory_space<vmem>>, vector<1024x1xf32>
      %swap3A = arith.constant 0 : index
      %swap3A_67 = arith.constant 0 : index
      %swap3A_68 = vector.load %arg8[%swap3A, %swap3A_67] : memref<1024x1xf32, #tpu.memory_space<vmem>>, vector<1024x1xf32>
      tpu.vector_store %arg8[%swap3A, %swap3A_67], %get3A_66 {strides = array<i32>} : memref<1024x1xf32, #tpu.memory_space<vmem>>, vector<1024x1xf32>,
    } else {
    }
    return
  }
  func.func @transform_0(%arg0: i32, %arg1: i32) -> (i32, i32) {
    %c0_i32 = arith.constant 0 : i32
    %c0_i32_0 = arith.constant 0 : i32
    return %arg0, %c0_i32 : i32, i32
  }
  func.func @transform_1(%arg0: i32, %arg1: i32) -> (i32, i32) {
    %c0_i32 = arith.constant 0 : i32
    %c0_i32_0 = arith.constant 0 : i32
    return %arg0, %c0_i32 : i32, i32
  }
  func.func @transform_2(%arg0: i32, %arg1: i32) -> (i32, i32) {
    %c0_i32 = arith.constant 0 : i32
    %c0_i32_0 = arith.constant 0 : i32
    return %arg1, %c0_i32 : i32, i32
  }
  func.func @transform_3(%arg0: i32, %arg1: i32) -> (i32, i32) {
    %c0_i32 = arith.constant 0 : i32
    %c0_i32_0 = arith.constant 0 : i32
    return %arg1, %c0_i32 : i32, i32
  }
  func.func @transform_4(%arg0: i32, %arg1: i32) -> (i32, i32, i32) {
    %c0_i32 = arith.constant 0 : i32
    %c0_i32_0 = arith.constant 0 : i32
    %c0_i32_1 = arith.constant 0 : i32
    return %arg0, %c0_i32, %c0_i32_0 : i32, i32, i32
  }
  func.func @transform_5(%arg0: i32, %arg1: i32) -> (i32, i32) {
    %c0_i32 = arith.constant 0 : i32
    %c0_i32_0 = arith.constant 0 : i32
    return %arg0, %c0_i32 : i32, i32
  }
  func.func @transform_6(%arg0: i32, %arg1: i32) -> (i32, i32) {
    %c0_i32 = arith.constant 0 : i32
    %c0_i32_0 = arith.constant 0 : i32
    return %arg1, %c0_i32 : i32, i32
  }
  func.func @transform_7(%arg0: i32, %arg1: i32) -> (i32, i32) {
    %c0_i32 = arith.constant 0 : i32
    %c0_i32_0 = arith.constant 0 : i32
    return %arg0, %c0_i32 : i32, i32
  }
}

module attributes {stable_mosaic.version = 14 : i64} {
  func.func @_asm_body(%arg0: memref<10x1x1024xf32, #tpu.memory_space<vmem>>, %arg1: memref<10240x1xf32, #tpu.memory_space<vmem>>, %arg2: memref<10240x1xf32, #tpu.memory_space<vmem>>, %arg3: memref<10240x1xf32, #tpu.memory_space<vmem>>, %arg4: memref<1x1xf32, #tpu.memory_space<vmem>>) attributes {dimension_semantics = [], scalar_prefetch = 0 : i64, scratch_operands = 0 : i64, tpu.core_type = #tpu.core_type<tc>} {
    %get3A = arith.constant 0 : index
    %get3A_0 = arith.constant 0 : index
    %get3A_1 = arith.constant 0 : index
    %get3A_2 = vector.load %arg0[%get3A, %get3A_0, %get3A_1] : memref<10x1x1024xf32, #tpu.memory_space<vmem>>, vector<10x1x1024xf32>
    %sub3A = arith.constant 487.389069 : f32
    %sub3A_3 = vector.broadcast %sub3A : f32 to vector<10x1x1024xf32>
    %sub3A_4 = arith.subf %get3A_2, %sub3A_3 : vector<10x1x1024xf32>
    %iota3A = tpu.iota {dimensions = array<i32: 0>} : vector<10x1x1024xi32>
    %mul3A = arith.constant 1024 : i32
    %mul3A_5 = vector.broadcast %mul3A : i32 to vector<10x1x1024xi32>
    %mul3A_6 = arith.muli %iota3A, %mul3A_5 : vector<10x1x1024xi32>
    %iota3A_7 = tpu.iota {dimensions = array<i32: 2>} : vector<10x1x1024xi32>
    %add3A = arith.addi %mul3A_6, %iota3A_7 : vector<10x1x1024xi32>
    %lt3A = arith.constant 10000 : i32
    %lt3A_8 = vector.broadcast %lt3A : i32 to vector<10x1x1024xi32>
    %lt3A_9 = arith.cmpi slt, %add3A, %lt3A_8 : vector<10x1x1024xi32>
    %log3A = math.log %sub3A_4 : vector<10x1x1024xf32>
    %jit3A = arith.constant 0.000000e+00 : f32
    %broadcast_in_dim3A = vector.broadcast %jit3A : f32 to vector<10x1x1024xf32>
    %select_n3A = arith.select %lt3A_9, %log3A, %broadcast_in_dim3A : vector<10x1x1024xi1>, vector<10x1x1024xf32>
    %reduce_sum3A = vector.shape_cast %select_n3A : vector<10x1x1024xf32> to vector<1x10x1x1024xf32>
    %reduce_sum3A_10 = arith.constant dense<0.000000e+00> : vector<1xf32>
    %reduce_sum3A_11 = vector.multi_reduction <add>, %reduce_sum3A, %reduce_sum3A_10 [1, 2, 3] : vector<1x10x1x1024xf32> to vector<1xf32>
    %reduce_sum3A_12 = vector.shape_cast %reduce_sum3A_11 : vector<1xf32> to vector<1x1x1x1xf32>
    %reduce_sum3A_13 = vector.extract %reduce_sum3A_12[0, 0, 0, 0] : f32 from vector<1x1x1x1xf32>
    %get3A_14 = arith.constant 0 : index
    %get3A_15 = arith.constant 0 : index
    %get3A_16 = vector.load %arg1[%get3A_14, %get3A_15] : memref<10240x1xf32, #tpu.memory_space<vmem>>, vector<10240x1xf32>
    %get3A_17 = arith.constant 0 : index
    %get3A_18 = arith.constant 0 : index
    %get3A_19 = vector.load %arg2[%get3A_17, %get3A_18] : memref<10240x1xf32, #tpu.memory_space<vmem>>, vector<10240x1xf32>
    %add3A_20 = arith.addf %get3A_16, %get3A_19 : vector<10240x1xf32>
    %sub3A_21 = arith.constant 487.389069 : f32
    %sub3A_22 = vector.broadcast %sub3A_21 : f32 to vector<10240x1xf32>
    %sub3A_23 = arith.subf %add3A_20, %sub3A_22 : vector<10240x1xf32>
    %iota3A_24 = tpu.iota {dimensions = array<i32: 0>} : vector<10240x1xi32>
    %lt3A_25 = arith.constant 10000 : i32
    %lt3A_26 = vector.broadcast %lt3A_25 : i32 to vector<10240x1xi32>
    %lt3A_27 = arith.cmpi slt, %iota3A_24, %lt3A_26 : vector<10240x1xi32>
    %log3A_28 = math.log %sub3A_23 : vector<10240x1xf32>
    %jit3A_29 = arith.constant 0.000000e+00 : f32
    %broadcast_in_dim3A_30 = vector.broadcast %jit3A_29 : f32 to vector<10240x1xf32>
    %select_n3A_31 = arith.select %lt3A_27, %log3A_28, %broadcast_in_dim3A_30 : vector<10240x1xi1>, vector<10240x1xf32>
    %reduce_sum3A_32 = vector.shape_cast %select_n3A_31 : vector<10240x1xf32> to vector<1x10240x1xf32>
    %reduce_sum3A_33 = arith.constant dense<0.000000e+00> : vector<1xf32>
    %reduce_sum3A_34 = vector.multi_reduction <add>, %reduce_sum3A_32, %reduce_sum3A_33 [1, 2] : vector<1x10240x1xf32> to vector<1xf32>
    %reduce_sum3A_35 = vector.shape_cast %reduce_sum3A_34 : vector<1xf32> to vector<1x1x1xf32>
    %reduce_sum3A_36 = vector.extract %reduce_sum3A_35[0, 0, 0] : f32 from vector<1x1x1xf32>
    %get3A_37 = arith.constant 0 : index
    %get3A_38 = arith.constant 0 : index
    %get3A_39 = vector.load %arg3[%get3A_37, %get3A_38] : memref<10240x1xf32, #tpu.memory_space<vmem>>, vector<10240x1xf32>
    %jit3A_40 = arith.constant 0.000000e+00 : f32
    %broadcast_in_dim3A_41 = vector.broadcast %jit3A_40 : f32 to vector<10240x1xf32>
    %select_n3A_42 = arith.select %lt3A_27, %get3A_39, %broadcast_in_dim3A_41 : vector<10240x1xi1>, vector<10240x1xf32>
    %reduce_sum3A_43 = vector.shape_cast %select_n3A_42 : vector<10240x1xf32> to vector<1x10240x1xf32>
    %reduce_sum3A_44 = arith.constant dense<0.000000e+00> : vector<1xf32>
    %reduce_sum3A_45 = vector.multi_reduction <add>, %reduce_sum3A_43, %reduce_sum3A_44 [1, 2] : vector<1x10240x1xf32> to vector<1xf32>
    %reduce_sum3A_46 = vector.shape_cast %reduce_sum3A_45 : vector<1xf32> to vector<1x1x1xf32>
    %reduce_sum3A_47 = vector.extract %reduce_sum3A_46[0, 0, 0] : f32 from vector<1x1x1xf32>
    %add3A_48 = arith.addf %reduce_sum3A_13, %reduce_sum3A_36 : f32
    %mul3A_49 = arith.constant 5.000000e-01 : f32
    %mul3A_50 = arith.mulf %mul3A_49, %add3A_48 : f32
    %mul3A_51 = arith.constant 2.000000e+00 : f32
    %mul3A_52 = arith.mulf %mul3A_51, %reduce_sum3A_47 : f32
    %sub3A_53 = arith.subf %mul3A_50, %mul3A_52 : f32
    %div3A = arith.constant 1.000000e+04 : f32
    %div3A_54 = arith.divf %sub3A_53, %div3A : f32
    %reshape3A = vector.broadcast %div3A_54 : f32 to vector<1x1xf32>
    %swap3A = arith.constant 0 : index
    %swap3A_55 = arith.constant 0 : index
    %swap3A_56 = vector.load %arg4[%swap3A, %swap3A_55] : memref<1x1xf32, #tpu.memory_space<vmem>>, vector<1x1xf32>
    tpu.vector_store %arg4[%swap3A, %swap3A_55], %reshape3A {strides = array<i32>} : memref<1x1xf32, #tpu.memory_space<vmem>>, vector<1x1xf32>,
    return
  }
}

</mosaic_0001>

<sc_bundles>
// kernel: kernel.11.cloned.1.call-start
scs
__scs_entry_jumppad:
0x0: {  	(pc) =	sbr.rel $0x88, $3  }
0x1: {  	(tag) =	ssettag $0x0;
	lr =	simm.s32 $0x1  }
0x2: {  	[smem:$0x3F97] =	sst lr;
	_ =	strace $0xD0000000  }
0x3: {  	_ = 	snop  }
0x4: {  	_ = 	snop  }
0x5: {  	_ = 	snop  }
0x6: {  	_ = 	snop  }
0x7: {  	_ = 	snop  }
__scs_overlays_trampoline_lowered:
0x8: {  	[smem:$0x3FA6] =	sst s0  }
0x9: {  	[smem:$0x3FA7] =	sst s1  }
0xa: {  	[smem:$0x3FA8] =	sst s2  }
0xb: {  	[smem:$0x3FA9] =	sst s3  }
0xc: {  	[smem:$0x3FAA] =	sst s4  }
0xd: {  	[smem:$0x3FAB] =	sst s5  }
0xe: {  	[smem:$0x3FAC] =	sst s6  }
0xf: {  	[smem:$0x3FAD] =	sst s7  }
0x10: {  	[smem:$0x3FAE] =	sst s8  }
0x11: {  	[smem:$0x3FAF] =	sst s9;
	s0 =	simm.s32 @!p0 $0x0  }
0x12: {  	s1 =	sld [smem:$0x3F95];
	s0 =	simm.s32 @p0 $0x1  }
0x13: {  	[smem:$0x3FB0] =	sst s0;
	s0 =	simm.s32 @!p1 $0x0  }
0x14: {  	s2 =	sld [smem:$0x3F94];
	s0 =	simm.s32 @p1 $0x1  }
0x15: {  	[smem:$0x3FB1] =	sst s0;
	s0 =	simm.s32 @!p2 $0x0  }
0x16: {  	s3 =	sld [smem:$0x3FDB];
	s0 =	simm.s32 @p2 $0x1  }
0x17: {  	s4 =	simm.s32 $0x1BF5;
	[smem:$0x3FB3] =	sst s0  }
0x18: {  	s0 =	sld [smem:$0x3F96];
	_ =	swait.ge [sflag:s4], $0x0  }
0x19: {  	s7 =	sld [smem:$0x3F97]  }
0x1a: {  	s8 =	sadd.s32 $0xFFFFE003, lr  }
0x1b: {  	s9 =	sadd.s32 $0xFFFFFEF7, lr;
	s5 =	simm.s32 $0xFFFFFFFF;
	p2 =	slt.u32 s8, $0xFFFFF086  }
0x1c: {  	p1 =	slt.u32 s9, $0xF7A;
	s5 =	simm.s32 @!p2 $0x0  }
0x1d: {  	s5 =	simm.s32 @p1 $0x1;
	p0 =	seq.s32 s7, s2  }
0x1e: {  	s7 =	smul.u32 @!p0 $0xF7A, s2;
	p2 =	seq.s32 @!p0 s5, $0x0  }
0x1f: {  	s9 =	smul.u32 $0xF7A, s1;
	s8 =	simm.s32 @!p0 $0x1BF5;
	p2 =	por !p2, p0  }
0x20: {  	[sflag:s8] =	ssyncset.s32 @!p0 $0xFFFFF086;
	s6 =	sadd.s32 @!p0 s3, s7;
	s7 =	simm.s32 @!p0 $0x108  }
0x21: {  	s3 =	sadd.s32 s3, s9;
	s6 =	sadd.s32 @!p0 $0x88, s6;
	s7 =	simm.s32 @p2 $0x1082  }
0x22: {  	[simem:s7], [sflag:s8] =	dma.local @!p0 [hbm:s6], $0xF7A  }
0x23: {  	s9 =	sor.u32 $0xD0000000, s2;
	s6 =	simm.s32 $0x108;
	_ =	swait.ge @!p0 [sflag:s8], $0x0  }
0x24: {  	s3 =	sadd.s32 $0x88, s3;
	s6 =	simm.s32 @!p1 $0x1082;
	[sflag:s4] =	ssyncset.s32 $0xFFFFF086  }
0x25: {  	[simem:s6], [sflag:s4] =	dma.local [hbm:s3], $0xF7A  }
0x26: {  	[smem:$0x3F97] =	sst s1;
	(tag) =	ssettag s2;
	_ =	strace s9  }
0x27: {  	s1 =	sld [smem:$0x3FA7]  }
0x28: {  	s2 =	sld [smem:$0x3FA8]  }
0x29: {  	s4 =	sld [smem:$0x3FAA]  }
0x2a: {  	p0 =	seq.s32 s5, $0x0;
	s5 =	sld [smem:$0x3FAB]  }
0x2b: {  	s6 =	sld [smem:$0x3FAC]  }
0x2c: {  	s7 =	sld [smem:$0x3FAD]  }
0x2d: {  	s3 =	simm.s32 $0x108;
	s8 =	sld [smem:$0x3FAE]  }
0x2e: {  	s3 =	simm.s32 @!p0 $0x1082;
	s9 =	sld [smem:$0x3FAF]  }
0x2f: {  	lr =	sadd.s32 s0, s3;
	s0 =	sld [smem:$0x3FA6]  }
0x30: {  	s3 =	sld [smem:$0x3FA9]  }
0x31: {  	[smem:$0x3FB2] =	sst s10  }
0x32: {  	s10 =	sld [smem:$0x3FB0];
	_ =	sdelay $0x3  }
0x33: {  	p0 =	seq.s32 s10, $0x1;
	s10 =	sld [smem:$0x3FB2];
	_ =	sdelay $0x3  }
0x34: {  	[smem:$0x3FB2] =	sst s10  }
0x35: {  	s10 =	sld [smem:$0x3FB1];
	_ =	sdelay $0x3  }
0x36: {  	p1 =	seq.s32 s10, $0x1;
	s10 =	sld [smem:$0x3FB2];
	_ =	sdelay $0x3  }
0x37: {  	[smem:$0x3FB2] =	sst s10  }
0x38: {  	s10 =	sld [smem:$0x3FB3]  }
0x39: {  	_ = 	snop;
	(pc) =	sbr.ind lr, $3  }
0x3a: {  	_ = 	snop  }
0x3b: {  	_ = 	snop  }
0x3c: {  	p2 =	seq.s32 s10, $0x1;
	s10 =	sld [smem:$0x3FB2]  }
0x3d: {  	_ =	shalt  }
0x3e: {  	_ =	shalt  }
0x3f: {  	_ =	shalt  }
0x40: {  	_ =	shalt  }
0x41: {  	_ =	shalt  }
0x42: {  	_ =	shalt  }
0x43: {  	_ =	shalt  }
0x44: {  	_ =	shalt  }
0x45: {  	_ =	shalt  }
0x46: {  	_ =	shalt  }
0x47: {  	_ =	shalt  }
0x48: {  	_ =	shalt  }
0x49: {  	_ =	shalt  }
0x4a: {  	_ =	shalt  }
0x4b: {  	_ =	shalt  }
0x4c: {  	_ =	shalt  }
0x4d: {  	_ =	shalt  }
0x4e: {  	_ =	shalt  }
0x4f: {  	_ =	shalt  }
0x50: {  	_ =	shalt  }
0x51: {  	_ =	shalt  }
0x52: {  	_ =	shalt  }
0x53: {  	_ =	shalt  }
0x54: {  	_ =	shalt  }
0x55: {  	_ =	shalt  }
0x56: {  	_ =	shalt  }
0x57: {  	_ =	shalt  }
0x58: {  	_ =	shalt  }
0x59: {  	_ =	shalt  }
0x5a: {  	_ =	shalt  }
0x5b: {  	_ =	shalt  }
0x5c: {  	_ =	shalt  }
0x5d: {  	_ =	shalt  }
0x5e: {  	_ =	shalt  }
0x5f: {  	_ =	shalt  }
0x60: {  	_ =	shalt  }
0x61: {  	_ =	shalt  }
0x62: {  	_ =	shalt  }
0x63: {  	_ =	shalt  }
0x64: {  	_ =	shalt  }
0x65: {  	_ =	shalt  }
0x66: {  	_ =	shalt  }
0x67: {  	_ =	shalt  }
0x68: {  	_ =	shalt  }
0x69: {  	_ =	shalt  }
0x6a: {  	_ =	shalt  }
0x6b: {  	_ =	shalt  }
0x6c: {  	_ =	shalt  }
0x6d: {  	_ =	shalt  }
0x6e: {  	_ =	shalt  }
0x6f: {  	_ =	shalt  }
0x70: {  	_ =	shalt  }
0x71: {  	_ =	shalt  }
0x72: {  	_ =	shalt  }
0x73: {  	_ =	shalt  }
0x74: {  	_ =	shalt  }
0x75: {  	_ =	shalt  }
0x76: {  	_ =	shalt  }
0x77: {  	_ =	shalt  }
0x78: {  	_ =	shalt  }
0x79: {  	_ =	shalt  }
0x7a: {  	_ =	shalt  }
0x7b: {  	_ =	shalt  }
0x7c: {  	_ =	shalt  }
0x7d: {  	_ =	shalt  }
0x7e: {  	_ =	shalt  }
0x7f: {  	_ =	shalt  }
0x80: {  	_ =	shalt  }
0x81: {  	_ =	shalt  }
0x82: {  	_ =	shalt  }
0x83: {  	_ =	shalt  }
0x84: {  	_ =	shalt  }
0x85: {  	_ =	shalt  }
0x86: {  	_ =	shalt  }
0x87: {  	_ =	shalt  }
.Lfunc_end0:
.L_simem_size_0:
called_computation.1_lowered:
.L_overlay_start_0:
0x88: {  	s2 =	sld [smem:$0x3FD9]  }
0x89: {  	s3 =	sld [smem:$0x3FFE];
	_ =	sdelay $0x1  }
0x8a: {  	s1 =	srdreg.scid  }
0x8b: {  	s0 =	sand.u32 $0x1, s1  }
0x8c: {  	s16 =	sshll.u32 s0, $0xA;
	s2 =	sadd.s32 s3, s2  }
0x8d: {  	s2 =	sadd.s32 s2, s16  }
0x8e: {  	[smem:$0x3FBE] =	sst s2  }
0x8f: {  	_ = 	snop  }
0x90: {  	(tm) =	ssettm $0x1  }
0x91: {  	s17 =	sld [smem:$0x3FFB];
	_ =	sdelay $0x3  }
0x92: {  	_ =	strace s17  }
0x93: {  	s2 =	sld [smem:$0x3FFC];
	_ =	sdelay $0x3  }
0x94: {  	_ =	strace s2  }
0x95: {  	s2 =	sld [smem:$0x3FFD];
	_ =	sdelay $0x3  }
0x96: {  	_ =	strace s2  }
0x97: {  	_ =	strace $0x8FFFFFFF  }
0x98: {  	s18 =	sld [smem:$0x3FDB];
	_ =	sdelay $0x1  }
0x99: {  	s19 =	simm.s32 $_scs_section_size  }
0x9a: {  	s4 =	simm.s32 $_size__tile_overlayer_lowered;
	s5 =	simm.s32 $_tile_overlayer_lowered  }
0x9b: {  	s22 =	simm.s32 $0x1BFF;
	s21 =	sshll.u32 s5, $0x1;
	s2 =	sadd.s32 s19, s18  }
0x9c: {  	s6 =	simm.s32 $0x0;
	s20 =	sshll.u32 s4, $0x1;
	s4 =	sadd.s32 s21, s2  }
0x9d: {  	[timem:s6], [sflag:s22] =	dma.local [hbm:s4], s20  }
0x9e: {  	_ =	swait.ge [sflag:s22], s20  }
0x9f: {  	s3 =	ssub.s32 $0x0, s20;
	[sflag:s22] =	ssyncset.done $0x0  }
0xa0: {  	[sflag:s22] =	ssyncadd.s32 s3;
	_ =	sdelay $0x1  }
0xa1: {  	s23 =	simm.s32 $0x1B8B  }
0xa2: {  	_ =	swait.ge [sflag:s23], $0x1  }
0xa3: {  	[sflag:s23] =	ssyncset.done $0x0  }
0xa4: {  	s25 =	simm.s32 $0x1B8E;
	s24 =	sld [smem:$0x3FFE];
	[sflag:s23] =	ssyncadd.s32 $0xFFFFFFFF  }
0xa5: {  	s26 =	simm.s32 $execute0_lowered;
	[smem:$0x3FD2] =	sst s25  }
0xa6: {  	s4 =	sshll.u32 s26, $0x1;
	_ =	strace $0x80000049;
	[dreg:$0x1] =	wrdreg $0xFFFFFFFF  }
0xa7: {  	s28 =	simm.s32 $_size_execute0_lowered;
	s2 =	sadd.s32 s2, s4;
	[dreg:$0x0] =	wrdreg $0x0  }
0xa8: {  	s4 =	sshll.u32 s28, $0x1;
	[dreg:$0x2] =	wrdreg s2  }
0xa9: {  	[dreg:$0x3] =	wrdreg s4  }
0xaa: {  	[dreg:$0x4] =	wrdreg $0xC0  }
0xab: {  	_ =	task [dreg:s6], $0x5FFFF  }
0xac: {  	[dreg:$0x1] =	wrdreg $0xFFFFFFFF  }
0xad: {  	[dreg:$0x0] =	wrdreg $0x60  }
0xae: {  	[dreg:$0x2] =	wrdreg s24  }
0xaf: {  	[dreg:$0x3] =	wrdreg $0xA8000  }
0xb0: {  	[dreg:$0x4] =	wrdreg $0x9  }
0xb1: {  	_ =	task.clear_ibuf [dreg:s6], $0x5FFFF;
	_ =	strace $0x90000049  }
0xb2: {  	s29 =	simm.s32 $0x9;
	_ =	strace $0x8000004B  }
0xb3: {  	_ =	swait.ge [sflag:s29], $0x1  }
0xb4: {  	[sflag:s29] =	ssyncadd.s32 $0xFFFFFFFF  }
0xb5: {  	_ =	strace $0x9000004B  }
0xb6: {  	_ =	sfence  }
0xb7: {  	s30 =	sld [smem:$0x0];
	_ =	sdelay $0x2  }
0xb8: {  	s31 =	sshll.u32 s1, $0xD;
	s1 =	sshrl.u32 s1, $0x2  }
0xb9: {  	s3 =	sand.u32 $0x4000, s31;
	s1 =	sadd.s32 s1, s30  }
0xba: {  	s0 =	sor.u32 s3, s0;
	s1 =	sshll.u32 s1, $0x11  }
0xbb: {  	s0 =	sor.u32 s1, s0  }
0xbc: {  	s0 =	sadd.s32 $0x8F2B, s0  }
0xbd: {  	[sflag:s0] =	ssyncadd.remote.s32 $0x1  }
0xbe: {  	_ =	sfence.sel $0xFFFF  }
0xbf: {  	[dreg:$0x0] =	wrdreg $0xFFFFFFFF;
	(pc) =	sbr.abs _section_cstart, $3  }
0xc0: {  	[dreg:$0x1] =	wrdreg $0xFFFFFFFF  }
0xc1: {  	_ =	task.clear_ibuf [dreg:s6], $0x2FFFF;
	_ =	strace $0x9FFFFFFF  }
0xc2: {  	(tm) =	ssettm $0x7FFFFFFF  }
0xc3: {  	_ =	shalt  }
tec
execute0_lowered:
.L_overlay_start_1:
0x0: {  	(tag) =	ssettag $0x1  }
0x1: {  	s6 =	rddreg [dreg:$0x0]  }
0x2: {  	s1 =	rddreg [dreg:$0x1]  }
0x3: {  	s0 =	rddreg [dreg:$0x2];
	s2 =	simm.s32 $0x0  }
0x4: {  	s5 =	srdreg.scid;
	s3 =	stileid.u32;
	s17 =	simm.s32 $0x2800  }
0x5: {  	s18 =	simm.s32 $0x6800;
	s19 =	simm.s32 $0x1;
	s20 =	simm.s32 $0x2  }
0x6: {  	s21 =	simm.s32 $0x1380;
	s22 =	simm.s32 $0x2700;
	s23 =	simm.s32 $0x2780  }
0x7: {  	s24 =	simm.s32 $0x0;
	[smem:$0x7FF] =	sst s2;
	s4 =	sadd.s32 $0x1FC00, s6  }
0x8: {  	s9 =	sadd.s32 $0x15C00, s6;
	s10 =	sadd.s32 $0xBC00, s6;
	s8 =	smul.u32 $0x2800, s3  }
0x9: {  	s7 =	sand.u32 $0x1, s5;
	s5 =	sadd.s32 $0x1C00, s6;
	s13 =	smul.u32 $0x50000, s3  }
0xa: {  	s28 =	sshll.u32 s3, $0x6;
	_ =	strace $0x8000004A;
	s12 =	sshll.u32 s7, $0x4  }
0xb: {  	s11 =	smul.u32 $0x28000, s7;
	s7 =	ssub.s32 $0x2, s7;
	s12 =	sor.u32 s3, s12  }
0xc: {  	s25 =	sshrl.u32 s7, $0x1;
	s26 =	sshrl.u32 s13, $0x2;
	s14 =	smul.u32 $0x2800, s12  }
0xd: {  	s8 =	sadd.s32 s8, s11;
	s16 =	ssub.s32 s7, s25;
	s30 =	smul.u32 $0x500, s12  }
0xe: {  	s13 =	sadd.s32 s26, s1;
	s15 =	sadd.s32 s8, s6;
	s6 =	sor.u32 $0x1C03, s28  }
0xf: {  	s12 =	smax.u32 s16, $0x1;
	s13 =	sshrl.u32 s13, $0x3;
	s16 =	simm.s32 $0x80  }
0x10: {  	s29 =	sshrl.u32 s14, $0x3;
	s8 =	sadd.s32 s10, s30;
	s11 =	sadd.s32 $0xCA200, s15  }
0x11: {  	s14 =	simm.s32 $0x3;
	s15 =	simm.s32 $0x1400;
	s31 =	sadd.s32 $0x280, s29  }
0x12: {  	s7 =	sadd.s32 s9, s29;
	s9 =	sadd.s32 s9, s31;
	s10 =	sadd.s32 s10, s31  }
.LBB2_1:
0x13: {  	[spmem:s13], [sflag:s6] =	dma.local [hbm:s5], $0x2800  }
0x14: {  	_ =	swait.ge [sflag:s14], $0x2800  }
0x15: {  	[sflag:s14] =	ssyncset.done $0x0  }
0x16: {  	[sflag:s14] =	ssyncadd.s32 $0xFFFFD800  }
0x17: {  	[bflag:$0x0] =	sbarrier.arrive $0xFFFF  }
0x18: {  	[tilespmem:s2], [sflag:$0x3] =	stream.linear.gather [hbm4b:s7+s2], $0x1400, $0x38;
	[tilespmem:$0x1E800] =	vst v63  }
0x19: {  	_ =	swait.ge [sflag:s14], $0x1400  }
0x1a: {  	[sflag:s14] =	ssyncset.done $0x0  }
0x1b: {  	[sflag:s14] =	ssyncadd.s32 $0xFFFFEC00  }
0x1c: {  	[tilespmem:s15], [sflag:$0x3] =	stream.linear.gather [hbm4b:s8+s2], $0x1400, $0x38;
	[tilespmem:$0x1E800] =	vst v63  }
0x1d: {  	_ =	swait.ge [sflag:s14], $0x1400  }
0x1e: {  	[sflag:s14] =	ssyncset.done $0x0  }
0x1f: {  	[sflag:s14] =	ssyncadd.s32 $0xFFFFEC00  }
0x20: {  	[tilespmem:s17], [sflag:$0x1] =	stream.indirect.gather [hbm4b:s4+s16], $0x80, s2, s16, $0xb8;
	[tilespmem:$0x1E800] =	vst v63  }
0x21: {  	s25 =	simm.s32 $0x80  }
0x22: {  	[tilespmem:s18], [sflag:$0x2] =	stream.indirect.gather [hbm4b:s4+s16], $0x80, s25, s16, $0xb8;
	[tilespmem:$0x1E800] =	vst v63  }
0x23: {  	_ =	swait.ge [sflag:s19], $0x4000  }
0x24: {  	[sflag:s19] =	ssyncset.done $0x0  }
0x25: {  	s29 =	simm.s32 $0x1400;
	[sflag:s19] =	ssyncadd.s32 $0xFFFFC000  }
0x26: {  	[spmem:s1] =	stream.indirect.scatter.add.f32 [tilespmem:s17], [sflag:$0x3], $0x80, s29, s16, $0xb8;
	[tilespmem:$0x1E800] =	vst v63  }
0x27: {  	_ =	swait.ge [sflag:s14], $0x4000  }
0x28: {  	[sflag:s14] =	ssyncset.done $0x0  }
0x29: {  	s30 =	simm.s32 $0x100;
	[sflag:s14] =	ssyncadd.s32 $0xFFFFC000  }
0x2a: {  	[tilespmem:s17], [sflag:$0x1] =	stream.indirect.gather [hbm4b:s4+s16], $0x80, s30, s16, $0xb8;
	[tilespmem:$0x1E800] =	vst v63  }
0x2b: {  	_ =	swait.ge [sflag:s20], $0x4000  }
0x2c: {  	[sflag:s20] =	ssyncset.done $0x0  }
0x2d: {  	s31 =	simm.s32 $0x1480;
	[sflag:s20] =	ssyncadd.s32 $0xFFFFC000  }
0x2e: {  	[spmem:s1] =	stream.indirect.scatter.add.f32 [tilespmem:s18], [sflag:$0x3], $0x80, s31, s16, $0xb8;
	[tilespmem:$0x1E800] =	vst v63  }
0x2f: {  	_ =	swait.ge [sflag:s14], $0x4000  }
0x30: {  	s26 =	simm.s32 $0x800;
	s25 =	simm.s32 $0x100;
	[sflag:s14] =	ssyncset.done $0x0  }
.LBB2_2:
0x31: {  	s28 =	sadd.s32 $0x80, s25  }
0x32: {  	[sflag:s14] =	ssyncadd.s32 $0xFFFFC000;
	s29 =	smov.u32 s26;
	s30 =	sadd.s32 $0x400, s26  }
0x33: {  	[tilespmem:s18], [sflag:$0x2] =	stream.indirect.gather [hbm4b:s4+s16], $0x80, s28, s16, $0xb8;
	[tilespmem:$0x1E800] =	vst v63  }
0x34: {  	p0 =	sne.s32 s26, $0x4800;
	_ =	swait.ge [sflag:s19], $0x4000  }
0x35: {  	[sflag:s19] =	ssyncset.done $0x0  }
0x36: {  	s26 =	sadd.s32 $0x1400, s25;
	[sflag:s19] =	ssyncadd.s32 $0xFFFFC000  }
0x37: {  	[spmem:s1] =	stream.indirect.scatter.add.f32 [tilespmem:s17], [sflag:$0x3], $0x80, s26, s16, $0xb8;
	[tilespmem:$0x1E800] =	vst v63  }
0x38: {  	_ =	swait.ge [sflag:s14], $0x4000  }
0x39: {  	[sflag:s14] =	ssyncset.done $0x0  }
0x3a: {  	s26 =	sadd.s32 $0x100, s25;
	[sflag:s14] =	ssyncadd.s32 $0xFFFFC000  }
0x3b: {  	[tilespmem:s17], [sflag:$0x1] =	stream.indirect.gather [hbm4b:s4+s16], $0x80, s26, s16, $0xb8;
	[tilespmem:$0x1E800] =	vst v63  }
0x3c: {  	_ =	swait.ge [sflag:s20], $0x4000  }
.Ltmp0:
0x3d: {  	[sflag:s20] =	ssyncset.done $0x0;
	(pc) =	sbr.rel @p0 .LBB2_2-.Ltmp0, $4  }
0x3e: {  	s25 =	sadd.s32 $0x1480, s25;
	[sflag:s20] =	ssyncadd.s32 $0xFFFFC000  }
0x3f: {  	[spmem:s1] =	stream.indirect.scatter.add.f32 [tilespmem:s18], [sflag:$0x3], $0x80, s25, s16, $0xb8;
	[tilespmem:$0x1E800] =	vst v63  }
0x40: {  	_ =	swait.ge [sflag:s14], $0x4000  }
0x41: {  	s26 =	smov.u32 s30;
	s25 =	sshra.s32 s29, $0x2;
	[sflag:s14] =	ssyncset.done $0x0  }
0x42: {  	s26 =	sadd.s32 $0x80, s25;
	[sflag:s14] =	ssyncadd.s32 $0xFFFFC000  }
0x43: {  	[tilespmem:s18], [sflag:$0x2] =	stream.indirect.gather [hbm4b:s4+s16], $0x80, s26, s16, $0xb8;
	[tilespmem:$0x1E800] =	vst v63  }
0x44: {  	_ =	swait.ge [sflag:s19], $0x4000  }
0x45: {  	[sflag:s19] =	ssyncset.done $0x0  }
0x46: {  	s29 =	sadd.s32 $0x1400, s25;
	[sflag:s19] =	ssyncadd.s32 $0xFFFFC000  }
0x47: {  	[spmem:s1] =	stream.indirect.scatter.add.f32 [tilespmem:s17], [sflag:$0x3], $0x80, s29, s16, $0xb8;
	[tilespmem:$0x1E800] =	vst v63  }
0x48: {  	_ =	swait.ge [sflag:s14], $0x4000  }
0x49: {  	[sflag:s14] =	ssyncset.done $0x0  }
0x4a: {  	s30 =	sadd.s32 $0x100, s25;
	[sflag:s14] =	ssyncadd.s32 $0xFFFFC000  }
0x4b: {  	[tilespmem:s17], [sflag:$0x1] =	stream.indirect.gather [hbm4b:s4+s16], $0x80, s30, s16, $0xb8;
	[tilespmem:$0x1E800] =	vst v63  }
0x4c: {  	_ =	swait.ge [sflag:s20], $0x4000  }
0x4d: {  	[sflag:s20] =	ssyncset.done $0x0  }
0x4e: {  	s31 =	sadd.s32 $0x1480, s25;
	[sflag:s20] =	ssyncadd.s32 $0xFFFFC000  }
0x4f: {  	[spmem:s1] =	stream.indirect.scatter.add.f32 [tilespmem:s18], [sflag:$0x3], $0x80, s31, s16, $0xb8;
	[tilespmem:$0x1E800] =	vst v63  }
0x50: {  	_ =	swait.ge [sflag:s14], $0x4000  }
0x51: {  	[sflag:s14] =	ssyncset.done $0x0  }
0x52: {  	[sflag:s14] =	ssyncadd.s32 $0xFFFFC000  }
0x53: {  	[tilespmem:s18], [sflag:$0x2] =	stream.indirect.gather [hbm4b:s4+s16], $0x80, s21, s16, $0xb8;
	[tilespmem:$0x1E800] =	vst v63  }
0x54: {  	_ =	swait.ge [sflag:s19], $0x4000  }
0x55: {  	[sflag:s19] =	ssyncset.done $0x0  }
0x56: {  	[sflag:s19] =	ssyncadd.s32 $0xFFFFC000  }
0x57: {  	[spmem:s1] =	stream.indirect.scatter.add.f32 [tilespmem:s17], [sflag:$0x3], $0x80, s22, s16, $0xb8;
	[tilespmem:$0x1E800] =	vst v63  }
0x58: {  	_ =	swait.ge [sflag:s14], $0x4000  }
0x59: {  	[sflag:s14] =	ssyncset.done $0x0  }
0x5a: {  	[sflag:s14] =	ssyncadd.s32 $0xFFFFC000  }
0x5b: {  	_ =	swait.ge [sflag:s20], $0x4000  }
0x5c: {  	[sflag:s20] =	ssyncset.done $0x0  }
0x5d: {  	[sflag:s20] =	ssyncadd.s32 $0xFFFFC000  }
0x5e: {  	[spmem:s1] =	stream.indirect.scatter.add.f32 [tilespmem:s18], [sflag:$0x3], $0x80, s23, s16, $0xb8;
	[tilespmem:$0x1E800] =	vst v63  }
0x5f: {  	_ =	swait.ge [sflag:s14], $0x4000  }
0x60: {  	[sflag:s14] =	ssyncset.done $0x0  }
0x61: {  	s26 =	simm.s32 $0x0;
	[sflag:s14] =	ssyncadd.s32 $0xFFFFC000  }
0x62: {  	[tilespmem:s26], [sflag:$0x3] =	stream.linear.gather [hbm4b:s9+s26], $0x1400, $0x38;
	[tilespmem:$0x1E800] =	vst v63  }
0x63: {  	_ =	swait.ge [sflag:s14], $0x1400  }
0x64: {  	[sflag:s14] =	ssyncset.done $0x0  }
0x65: {  	[sflag:s14] =	ssyncadd.s32 $0xFFFFEC00  }
0x66: {  	[tilespmem:s15], [sflag:$0x3] =	stream.linear.gather [hbm4b:s10+s26], $0x1400, $0x38;
	[tilespmem:$0x1E800] =	vst v63  }
0x67: {  	_ =	swait.ge [sflag:s14], $0x1400  }
0x68: {  	[sflag:s14] =	ssyncset.done $0x0  }
0x69: {  	[sflag:s14] =	ssyncadd.s32 $0xFFFFEC00  }
0x6a: {  	[tilespmem:s17], [sflag:$0x1] =	stream.indirect.gather [hbm4b:s4+s16], $0x80, s26, s16, $0xb8;
	[tilespmem:$0x1E800] =	vst v63  }
0x6b: {  	s28 =	simm.s32 $0x80  }
0x6c: {  	[tilespmem:s18], [sflag:$0x2] =	stream.indirect.gather [hbm4b:s4+s16], $0x80, s28, s16, $0xb8;
	[tilespmem:$0x1E800] =	vst v63  }
0x6d: {  	_ =	swait.ge [sflag:s19], $0x4000  }
0x6e: {  	[sflag:s19] =	ssyncset.done $0x0  }
0x6f: {  	s29 =	simm.s32 $0x1400;
	[sflag:s19] =	ssyncadd.s32 $0xFFFFC000  }
0x70: {  	[spmem:s1] =	stream.indirect.scatter.add.f32 [tilespmem:s17], [sflag:$0x3], $0x80, s29, s16, $0xb8;
	[tilespmem:$0x1E800] =	vst v63  }
0x71: {  	_ =	swait.ge [sflag:s14], $0x4000  }
0x72: {  	[sflag:s14] =	ssyncset.done $0x0  }
0x73: {  	s30 =	simm.s32 $0x100;
	[sflag:s14] =	ssyncadd.s32 $0xFFFFC000  }
0x74: {  	[tilespmem:s17], [sflag:$0x1] =	stream.indirect.gather [hbm4b:s4+s16], $0x80, s30, s16, $0xb8;
	[tilespmem:$0x1E800] =	vst v63  }
0x75: {  	_ =	swait.ge [sflag:s20], $0x4000  }
0x76: {  	[sflag:s20] =	ssyncset.done $0x0  }
0x77: {  	s31 =	simm.s32 $0x1480;
	[sflag:s20] =	ssyncadd.s32 $0xFFFFC000  }
0x78: {  	[spmem:s1] =	stream.indirect.scatter.add.f32 [tilespmem:s18], [sflag:$0x3], $0x80, s31, s16, $0xb8;
	[tilespmem:$0x1E800] =	vst v63  }
0x79: {  	_ =	swait.ge [sflag:s14], $0x4000  }
0x7a: {  	s25 =	simm.s32 $0x100;
	s26 =	simm.s32 $0x800;
	[sflag:s14] =	ssyncset.done $0x0  }
.LBB2_4:
0x7b: {  	s28 =	sadd.s32 $0x80, s25  }
0x7c: {  	[sflag:s14] =	ssyncadd.s32 $0xFFFFC000;
	s29 =	smov.u32 s26;
	s30 =	sadd.s32 $0x400, s26  }
0x7d: {  	[tilespmem:s18], [sflag:$0x2] =	stream.indirect.gather [hbm4b:s4+s16], $0x80, s28, s16, $0xb8;
	[tilespmem:$0x1E800] =	vst v63  }
0x7e: {  	p0 =	sne.s32 s26, $0x4800;
	_ =	swait.ge [sflag:s19], $0x4000  }
0x7f: {  	[sflag:s19] =	ssyncset.done $0x0  }
0x80: {  	s26 =	sadd.s32 $0x1400, s25;
	[sflag:s19] =	ssyncadd.s32 $0xFFFFC000  }
0x81: {  	[spmem:s1] =	stream.indirect.scatter.add.f32 [tilespmem:s17], [sflag:$0x3], $0x80, s26, s16, $0xb8;
	[tilespmem:$0x1E800] =	vst v63  }
0x82: {  	_ =	swait.ge [sflag:s14], $0x4000  }
0x83: {  	[sflag:s14] =	ssyncset.done $0x0  }
0x84: {  	s26 =	sadd.s32 $0x100, s25;
	[sflag:s14] =	ssyncadd.s32 $0xFFFFC000  }
0x85: {  	[tilespmem:s17], [sflag:$0x1] =	stream.indirect.gather [hbm4b:s4+s16], $0x80, s26, s16, $0xb8;
	[tilespmem:$0x1E800] =	vst v63  }
0x86: {  	_ =	swait.ge [sflag:s20], $0x4000  }
.Ltmp1:
0x87: {  	[sflag:s20] =	ssyncset.done $0x0;
	(pc) =	sbr.rel @p0 .LBB2_4-.Ltmp1, $4  }
0x88: {  	s25 =	sadd.s32 $0x1480, s25;
	[sflag:s20] =	ssyncadd.s32 $0xFFFFC000  }
0x89: {  	[spmem:s1] =	stream.indirect.scatter.add.f32 [tilespmem:s18], [sflag:$0x3], $0x80, s25, s16, $0xb8;
	[tilespmem:$0x1E800] =	vst v63  }
0x8a: {  	_ =	swait.ge [sflag:s14], $0x4000  }
0x8b: {  	s26 =	smov.u32 s30;
	s25 =	sshra.s32 s29, $0x2;
	[sflag:s14] =	ssyncset.done $0x0  }
0x8c: {  	s26 =	sadd.s32 $0x80, s25;
	[sflag:s14] =	ssyncadd.s32 $0xFFFFC000  }
0x8d: {  	[tilespmem:s18], [sflag:$0x2] =	stream.indirect.gather [hbm4b:s4+s16], $0x80, s26, s16, $0xb8;
	[tilespmem:$0x1E800] =	vst v63  }
0x8e: {  	_ =	swait.ge [sflag:s19], $0x4000  }
0x8f: {  	[sflag:s19] =	ssyncset.done $0x0  }
0x90: {  	s29 =	sadd.s32 $0x1400, s25;
	[sflag:s19] =	ssyncadd.s32 $0xFFFFC000  }
0x91: {  	[spmem:s1] =	stream.indirect.scatter.add.f32 [tilespmem:s17], [sflag:$0x3], $0x80, s29, s16, $0xb8;
	[tilespmem:$0x1E800] =	vst v63  }
0x92: {  	_ =	swait.ge [sflag:s14], $0x4000  }
0x93: {  	[sflag:s14] =	ssyncset.done $0x0  }
0x94: {  	s30 =	sadd.s32 $0x100, s25;
	[sflag:s14] =	ssyncadd.s32 $0xFFFFC000  }
0x95: {  	[tilespmem:s17], [sflag:$0x1] =	stream.indirect.gather [hbm4b:s4+s16], $0x80, s30, s16, $0xb8;
	[tilespmem:$0x1E800] =	vst v63  }
0x96: {  	_ =	swait.ge [sflag:s20], $0x4000  }
0x97: {  	[sflag:s20] =	ssyncset.done $0x0  }
0x98: {  	s31 =	sadd.s32 $0x1480, s25;
	[sflag:s20] =	ssyncadd.s32 $0xFFFFC000  }
0x99: {  	[spmem:s1] =	stream.indirect.scatter.add.f32 [tilespmem:s18], [sflag:$0x3], $0x80, s31, s16, $0xb8;
	[tilespmem:$0x1E800] =	vst v63  }
0x9a: {  	_ =	swait.ge [sflag:s14], $0x4000  }
0x9b: {  	[sflag:s14] =	ssyncset.done $0x0  }
0x9c: {  	[sflag:s14] =	ssyncadd.s32 $0xFFFFC000  }
0x9d: {  	[tilespmem:s18], [sflag:$0x2] =	stream.indirect.gather [hbm4b:s4+s16], $0x80, s21, s16, $0xb8;
	[tilespmem:$0x1E800] =	vst v63  }
0x9e: {  	_ =	swait.ge [sflag:s19], $0x4000  }
0x9f: {  	[sflag:s19] =	ssyncset.done $0x0  }
0xa0: {  	[sflag:s19] =	ssyncadd.s32 $0xFFFFC000  }
0xa1: {  	[spmem:s1] =	stream.indirect.scatter.add.f32 [tilespmem:s17], [sflag:$0x3], $0x80, s22, s16, $0xb8;
	[tilespmem:$0x1E800] =	vst v63  }
0xa2: {  	_ =	swait.ge [sflag:s14], $0x4000  }
0xa3: {  	[sflag:s14] =	ssyncset.done $0x0  }
0xa4: {  	[sflag:s14] =	ssyncadd.s32 $0xFFFFC000  }
0xa5: {  	_ =	swait.ge [sflag:s20], $0x4000  }
0xa6: {  	[sflag:s20] =	ssyncset.done $0x0  }
0xa7: {  	[sflag:s20] =	ssyncadd.s32 $0xFFFFC000  }
0xa8: {  	[spmem:s1] =	stream.indirect.scatter.add.f32 [tilespmem:s18], [sflag:$0x3], $0x80, s23, s16, $0xb8;
	[tilespmem:$0x1E800] =	vst v63  }
0xa9: {  	_ =	swait.ge [sflag:s14], $0x4000  }
0xaa: {  	s24 =	sadd.s32 $0x1, s24;
	[sflag:s14] =	ssyncset.done $0x0  }
0xab: {  	p0 =	sne.s32 s24, s12;
	[sflag:s14] =	ssyncadd.s32 $0xFFFFC000  }
.Ltmp2:
0xac: {  	[bflag:$0x0] =	sbarrier.arrive $0xFFFF;
	(pc) =	sbr.rel @p0 .LBB2_1-.Ltmp2, $4  }
0xad: {  	[hbm:s11], [sflag:s6] =	dma.local [spmem:s13], $0x2800  }
0xae: {  	_ =	swait.ge [sflag:s14], $0x2800  }
0xaf: {  	[sflag:s14] =	ssyncset.done $0x0  }
0xb0: {  	[sflag:s14] =	ssyncadd.s32 $0xFFFFD800  }
0xb1: {  	_ =	sfence.sel $0x180000  }
0xb2: {  	[bflag:$0x0] =	sbarrier.arrive $0xFFFF  }
0xb3: {  	p0 =	sne.s32 s3, $0x0;
	_ =	strace $0x9000004A  }
0xb4: {  	s0 =	sadd.s32 @!p0 $0x100000, s0;
	[bflag:$0x2] =	sbarrier.arrive $0xFFFF  }
0xb5: {  	[sflag:s0] =	ssyncadd.tile.s32 @!p0 $0x1;
	_ =	shalt  }
.Lfunc_end2:
_tile_overlayer_lowered:
.L_overlay_start_2:
0xb6: {  	(tag) =	ssettag $0x2  }
0xb7: {  	s0 =	rddreg [dreg:$0x0];
	s2 =	stileid.u32  }
0xb8: {  	s1 =	rddreg [dreg:$0x1];
	p0 =	sne.s32 s2, $0x0  }
0xb9: {  	s3 =	rddreg [dreg:$0x2];
	[bflag:$0x3] =	sbarrier.arrive $0xFFFF;
	s2 =	simm.s32 @!p0 $0x1C03  }
0xba: {  	[timem:s3], [sflag:s2] =	dma.local @!p0 [hbm:s0], s1  }
0xbb: {  	s0 =	simm.s32 @!p0 $0x3  }
0xbc: {  	_ =	swait.ge @!p0 [sflag:s0], s1  }
0xbd: {  	s1 =	ssub.s32 @!p0 $0x0, s1;
	[sflag:s0] =	ssyncset.done @!p0 $0x0  }
0xbe: {  	[sflag:s0] =	ssyncadd.s32 @!p0 s1  }
0xbf: {  	[bflag:$0x3] =	sbarrier.arrive $0xFFFF  }
0xc0: {  	_ =	shalt  }

// kernel: kernel.8.cloned.1.call-start
scs
__scs_entry_jumppad:
0x0: {  	(pc) =	sbr.rel $0x88, $3  }
0x1: {  	(tag) =	ssettag $0x0;
	lr =	simm.s32 $0x1  }
0x2: {  	[smem:$0x3F97] =	sst lr;
	_ =	strace $0xD0000000  }
0x3: {  	_ = 	snop  }
0x4: {  	_ = 	snop  }
0x5: {  	_ = 	snop  }
0x6: {  	_ = 	snop  }
0x7: {  	_ = 	snop  }
__scs_overlays_trampoline_lowered:
0x8: {  	[smem:$0x3FA6] =	sst s0  }
0x9: {  	[smem:$0x3FA7] =	sst s1  }
0xa: {  	[smem:$0x3FA8] =	sst s2  }
0xb: {  	[smem:$0x3FA9] =	sst s3  }
0xc: {  	[smem:$0x3FAA] =	sst s4  }
0xd: {  	[smem:$0x3FAB] =	sst s5  }
0xe: {  	[smem:$0x3FAC] =	sst s6  }
0xf: {  	[smem:$0x3FAD] =	sst s7  }
0x10: {  	[smem:$0x3FAE] =	sst s8  }
0x11: {  	[smem:$0x3FAF] =	sst s9;
	s0 =	simm.s32 @!p0 $0x0  }
0x12: {  	s1 =	sld [smem:$0x3F95];
	s0 =	simm.s32 @p0 $0x1  }
0x13: {  	[smem:$0x3FB0] =	sst s0;
	s0 =	simm.s32 @!p1 $0x0  }
0x14: {  	s2 =	sld [smem:$0x3F94];
	s0 =	simm.s32 @p1 $0x1  }
0x15: {  	[smem:$0x3FB1] =	sst s0;
	s0 =	simm.s32 @!p2 $0x0  }
0x16: {  	s3 =	sld [smem:$0x3FDB];
	s0 =	simm.s32 @p2 $0x1  }
0x17: {  	s4 =	simm.s32 $0x1BF5;
	[smem:$0x3FB3] =	sst s0  }
0x18: {  	s0 =	sld [smem:$0x3F96];
	_ =	swait.ge [sflag:s4], $0x0  }
0x19: {  	s7 =	sld [smem:$0x3F97]  }
0x1a: {  	s8 =	sadd.s32 $0xFFFFE003, lr  }
0x1b: {  	s9 =	sadd.s32 $0xFFFFFEF7, lr;
	s5 =	simm.s32 $0xFFFFFFFF;
	p2 =	slt.u32 s8, $0xFFFFF086  }
0x1c: {  	p1 =	slt.u32 s9, $0xF7A;
	s5 =	simm.s32 @!p2 $0x0  }
0x1d: {  	s5 =	simm.s32 @p1 $0x1;
	p0 =	seq.s32 s7, s2  }
0x1e: {  	s7 =	smul.u32 @!p0 $0xF7A, s2;
	p2 =	seq.s32 @!p0 s5, $0x0  }
0x1f: {  	s9 =	smul.u32 $0xF7A, s1;
	s8 =	simm.s32 @!p0 $0x1BF5;
	p2 =	por !p2, p0  }
0x20: {  	[sflag:s8] =	ssyncset.s32 @!p0 $0xFFFFF086;
	s6 =	sadd.s32 @!p0 s3, s7;
	s7 =	simm.s32 @!p0 $0x108  }
0x21: {  	s3 =	sadd.s32 s3, s9;
	s6 =	sadd.s32 @!p0 $0x88, s6;
	s7 =	simm.s32 @p2 $0x1082  }
0x22: {  	[simem:s7], [sflag:s8] =	dma.local @!p0 [hbm:s6], $0xF7A  }
0x23: {  	s9 =	sor.u32 $0xD0000000, s2;
	s6 =	simm.s32 $0x108;
	_ =	swait.ge @!p0 [sflag:s8], $0x0  }
0x24: {  	s3 =	sadd.s32 $0x88, s3;
	s6 =	simm.s32 @!p1 $0x1082;
	[sflag:s4] =	ssyncset.s32 $0xFFFFF086  }
0x25: {  	[simem:s6], [sflag:s4] =	dma.local [hbm:s3], $0xF7A  }
0x26: {  	[smem:$0x3F97] =	sst s1;
	(tag) =	ssettag s2;
	_ =	strace s9  }
0x27: {  	s1 =	sld [smem:$0x3FA7]  }
0x28: {  	s2 =	sld [smem:$0x3FA8]  }
0x29: {  	s4 =	sld [smem:$0x3FAA]  }
0x2a: {  	p0 =	seq.s32 s5, $0x0;
	s5 =	sld [smem:$0x3FAB]  }
0x2b: {  	s6 =	sld [smem:$0x3FAC]  }
0x2c: {  	s7 =	sld [smem:$0x3FAD]  }
0x2d: {  	s3 =	simm.s32 $0x108;
	s8 =	sld [smem:$0x3FAE]  }
0x2e: {  	s3 =	simm.s32 @!p0 $0x1082;
	s9 =	sld [smem:$0x3FAF]  }
0x2f: {  	lr =	sadd.s32 s0, s3;
	s0 =	sld [smem:$0x3FA6]  }
0x30: {  	s3 =	sld [smem:$0x3FA9]  }
0x31: {  	[smem:$0x3FB2] =	sst s10  }
0x32: {  	s10 =	sld [smem:$0x3FB0];
	_ =	sdelay $0x3  }
0x33: {  	p0 =	seq.s32 s10, $0x1;
	s10 =	sld [smem:$0x3FB2];
	_ =	sdelay $0x3  }
0x34: {  	[smem:$0x3FB2] =	sst s10  }
0x35: {  	s10 =	sld [smem:$0x3FB1];
	_ =	sdelay $0x3  }
0x36: {  	p1 =	seq.s32 s10, $0x1;
	s10 =	sld [smem:$0x3FB2];
	_ =	sdelay $0x3  }
0x37: {  	[smem:$0x3FB2] =	sst s10  }
0x38: {  	s10 =	sld [smem:$0x3FB3]  }
0x39: {  	_ = 	snop;
	(pc) =	sbr.ind lr, $3  }
0x3a: {  	_ = 	snop  }
0x3b: {  	_ = 	snop  }
0x3c: {  	p2 =	seq.s32 s10, $0x1;
	s10 =	sld [smem:$0x3FB2]  }
0x3d: {  	_ =	shalt  }
0x3e: {  	_ =	shalt  }
0x3f: {  	_ =	shalt  }
0x40: {  	_ =	shalt  }
0x41: {  	_ =	shalt  }
0x42: {  	_ =	shalt  }
0x43: {  	_ =	shalt  }
0x44: {  	_ =	shalt  }
0x45: {  	_ =	shalt  }
0x46: {  	_ =	shalt  }
0x47: {  	_ =	shalt  }
0x48: {  	_ =	shalt  }
0x49: {  	_ =	shalt  }
0x4a: {  	_ =	shalt  }
0x4b: {  	_ =	shalt  }
0x4c: {  	_ =	shalt  }
0x4d: {  	_ =	shalt  }
0x4e: {  	_ =	shalt  }
0x4f: {  	_ =	shalt  }
0x50: {  	_ =	shalt  }
0x51: {  	_ =	shalt  }
0x52: {  	_ =	shalt  }
0x53: {  	_ =	shalt  }
0x54: {  	_ =	shalt  }
0x55: {  	_ =	shalt  }
0x56: {  	_ =	shalt  }
0x57: {  	_ =	shalt  }
0x58: {  	_ =	shalt  }
0x59: {  	_ =	shalt  }
0x5a: {  	_ =	shalt  }
0x5b: {  	_ =	shalt  }
0x5c: {  	_ =	shalt  }
0x5d: {  	_ =	shalt  }
0x5e: {  	_ =	shalt  }
0x5f: {  	_ =	shalt  }
0x60: {  	_ =	shalt  }
0x61: {  	_ =	shalt  }
0x62: {  	_ =	shalt  }
0x63: {  	_ =	shalt  }
0x64: {  	_ =	shalt  }
0x65: {  	_ =	shalt  }
0x66: {  	_ =	shalt  }
0x67: {  	_ =	shalt  }
0x68: {  	_ =	shalt  }
0x69: {  	_ =	shalt  }
0x6a: {  	_ =	shalt  }
0x6b: {  	_ =	shalt  }
0x6c: {  	_ =	shalt  }
0x6d: {  	_ =	shalt  }
0x6e: {  	_ =	shalt  }
0x6f: {  	_ =	shalt  }
0x70: {  	_ =	shalt  }
0x71: {  	_ =	shalt  }
0x72: {  	_ =	shalt  }
0x73: {  	_ =	shalt  }
0x74: {  	_ =	shalt  }
0x75: {  	_ =	shalt  }
0x76: {  	_ =	shalt  }
0x77: {  	_ =	shalt  }
0x78: {  	_ =	shalt  }
0x79: {  	_ =	shalt  }
0x7a: {  	_ =	shalt  }
0x7b: {  	_ =	shalt  }
0x7c: {  	_ =	shalt  }
0x7d: {  	_ =	shalt  }
0x7e: {  	_ =	shalt  }
0x7f: {  	_ =	shalt  }
0x80: {  	_ =	shalt  }
0x81: {  	_ =	shalt  }
0x82: {  	_ =	shalt  }
0x83: {  	_ =	shalt  }
0x84: {  	_ =	shalt  }
0x85: {  	_ =	shalt  }
0x86: {  	_ =	shalt  }
0x87: {  	_ =	shalt  }
.Lfunc_end0:
.L_simem_size_0:
called_computation_lowered:
.L_overlay_start_0:
0x88: {  	s2 =	sld [smem:$0x3FD9]  }
0x89: {  	s3 =	sld [smem:$0x3FFE];
	_ =	sdelay $0x1  }
0x8a: {  	s1 =	srdreg.scid  }
0x8b: {  	s0 =	sand.u32 $0x1, s1  }
0x8c: {  	s16 =	sshll.u32 s0, $0xA;
	s2 =	sadd.s32 s3, s2  }
0x8d: {  	s2 =	sadd.s32 s2, s16  }
0x8e: {  	[smem:$0x3FBE] =	sst s2  }
0x8f: {  	_ = 	snop  }
0x90: {  	(tm) =	ssettm $0x1  }
0x91: {  	s17 =	sld [smem:$0x3FFB];
	_ =	sdelay $0x3  }
0x92: {  	_ =	strace s17  }
0x93: {  	s2 =	sld [smem:$0x3FFC];
	_ =	sdelay $0x3  }
0x94: {  	_ =	strace s2  }
0x95: {  	s2 =	sld [smem:$0x3FFD];
	_ =	sdelay $0x3  }
0x96: {  	_ =	strace s2  }
0x97: {  	_ =	strace $0x8FFFFFFF  }
0x98: {  	s18 =	sld [smem:$0x3FDB];
	_ =	sdelay $0x1  }
0x99: {  	s19 =	simm.s32 $_scs_section_size  }
0x9a: {  	s4 =	simm.s32 $_size__tile_overlayer_lowered;
	s5 =	simm.s32 $_tile_overlayer_lowered  }
0x9b: {  	s22 =	simm.s32 $0x1BFF;
	s21 =	sshll.u32 s5, $0x1;
	s2 =	sadd.s32 s19, s18  }
0x9c: {  	s6 =	simm.s32 $0x0;
	s20 =	sshll.u32 s4, $0x1;
	s4 =	sadd.s32 s21, s2  }
0x9d: {  	[timem:s6], [sflag:s22] =	dma.local [hbm:s4], s20  }
0x9e: {  	_ =	swait.ge [sflag:s22], s20  }
0x9f: {  	s3 =	ssub.s32 $0x0, s20;
	[sflag:s22] =	ssyncset.done $0x0  }
0xa0: {  	[sflag:s22] =	ssyncadd.s32 s3;
	_ =	sdelay $0x1  }
0xa1: {  	s23 =	simm.s32 $0x1B8B  }
0xa2: {  	_ =	swait.ge [sflag:s23], $0x1  }
0xa3: {  	[sflag:s23] =	ssyncset.done $0x0  }
0xa4: {  	s25 =	simm.s32 $0x1B8E;
	s24 =	sld [smem:$0x3FFE];
	[sflag:s23] =	ssyncadd.s32 $0xFFFFFFFF  }
0xa5: {  	s26 =	simm.s32 $execute0_lowered;
	[smem:$0x3FD2] =	sst s25  }
0xa6: {  	s4 =	sshll.u32 s26, $0x1;
	_ =	strace $0x80000046;
	[dreg:$0x1] =	wrdreg $0xFFFFFFFF  }
0xa7: {  	s28 =	simm.s32 $_size_execute0_lowered;
	s2 =	sadd.s32 s2, s4;
	[dreg:$0x0] =	wrdreg $0x0  }
0xa8: {  	s4 =	sshll.u32 s28, $0x1;
	[dreg:$0x2] =	wrdreg s2  }
0xa9: {  	[dreg:$0x3] =	wrdreg s4  }
0xaa: {  	[dreg:$0x4] =	wrdreg $0xC0  }
0xab: {  	_ =	task [dreg:s6], $0x5FFFF  }
0xac: {  	[dreg:$0x1] =	wrdreg $0xFFFFFFFF  }
0xad: {  	[dreg:$0x0] =	wrdreg $0x60  }
0xae: {  	[dreg:$0x2] =	wrdreg s24  }
0xaf: {  	[dreg:$0x3] =	wrdreg $0x9  }
0xb0: {  	_ =	task.clear_ibuf [dreg:s6], $0x4FFFF;
	_ =	strace $0x90000046  }
0xb1: {  	s29 =	simm.s32 $0x9;
	_ =	strace $0x80000048  }
0xb2: {  	_ =	swait.ge [sflag:s29], $0x1  }
0xb3: {  	[sflag:s29] =	ssyncadd.s32 $0xFFFFFFFF  }
0xb4: {  	_ =	strace $0x90000048  }
0xb5: {  	_ =	sfence  }
0xb6: {  	s30 =	sld [smem:$0x0];
	_ =	sdelay $0x2  }
0xb7: {  	s31 =	sshll.u32 s1, $0xD;
	s1 =	sshrl.u32 s1, $0x2  }
0xb8: {  	s3 =	sand.u32 $0x4000, s31;
	s1 =	sadd.s32 s1, s30  }
0xb9: {  	s0 =	sor.u32 s3, s0;
	s1 =	sshll.u32 s1, $0x11  }
0xba: {  	s0 =	sor.u32 s1, s0  }
0xbb: {  	s0 =	sadd.s32 $0x8F2B, s0  }
0xbc: {  	[sflag:s0] =	ssyncadd.remote.s32 $0x1  }
0xbd: {  	_ =	sfence.sel $0xFFFF  }
0xbe: {  	[dreg:$0x0] =	wrdreg $0xFFFFFFFF;
	(pc) =	sbr.abs _section_cstart, $3  }
0xbf: {  	[dreg:$0x1] =	wrdreg $0xFFFFFFFF  }
0xc0: {  	_ =	task.clear_ibuf [dreg:s6], $0x2FFFF;
	_ =	strace $0x9FFFFFFF  }
0xc1: {  	(tm) =	ssettm $0x7FFFFFFF  }
tec
execute0_lowered:
.L_overlay_start_1:
0x0: {  	(tag) =	ssettag $0x1  }
0x1: {  	s0 =	srdreg.scid  }
0x2: {  	s4 =	rddreg [dreg:$0x0];
	s2 =	simm.s32 $0x0;
	s3 =	sand.u32 $0x1, s0  }
0x3: {  	s8 =	simm.s32 $0x2800;
	s0 =	stileid.u32;
	s1 =	sshll.u32 s3, $0x4  }
0x4: {  	s9 =	simm.s32 $0x80;
	s10 =	simm.s32 $0x400;
	s5 =	sor.u32 s0, s1  }
0x5: {  	s11 =	simm.s32 $0x0;
	[smem:$0x7FF] =	sst s2;
	s6 =	sshrl.u32 s5, $0x3  }
0x6: {  	s7 =	sshll.u32 s0, $0x7;
	s30 =	ssub.s32 $0x2, s3;
	s6 =	smul.u32 $0x14000, s6  }
0x7: {  	s3 =	sadd.s32 $0x1FC00, s4;
	s7 =	sand.u32 $0x380, s7;
	s5 =	smul.u32 $0x500, s5  }
0x8: {  	s1 =	rddreg [dreg:$0x1];
	_ =	strace $0x80000047;
	s6 =	sor.u32 s7, s6  }
0x9: {  	s31 =	sshrl.u32 s30, $0x1;
	s5 =	sadd.s32 s5, s4;
	s6 =	sshrl.u32 s6, $0x3  }
0xa: {  	s7 =	ssub.s32 s30, s31;
	s6 =	sadd.s32 s6, s4;
	s4 =	sadd.s32 $0x1C00, s5  }
0xb: {  	v0 =	vimm.f32 $1.000000000e+00;
	s5 =	sadd.s32 $0x20200, s6;
	s6 =	smax.u32 s7, $0x1;
	s7 =	simm.s32 $0x1  }
.LBB2_1:
0xc: {  	[tilespmem:s2], [sflag:$0x1] =	stream.linear.gather [hbm4b:s4+s2], $0x2800, $0x38;
	[tilespmem:$0x5000] =	vst v63  }
0xd: {  	_ =	swait.ge [sflag:s7], $0x2800  }
0xe: {  	[sflag:s7] =	ssyncset.done $0x0  }
0xf: {  	[sflag:s7] =	ssyncadd.s32 $0xFFFFD800  }
0x10: {  	[tilespmem:s8], [sflag:$0x1] =	stream.linear.gather [hbm4b:s3+s2], $0x2800, $0x38;
	[tilespmem:$0x5000] =	vst v63  }
0x11: {  	_ =	swait.ge [sflag:s7], $0x2800  }
0x12: {  	[sflag:s7] =	ssyncset.done $0x0  }
0x13: {  	s13 =	simm.s32 $0x0;
	s12 =	simm.s32 $0x40;
	[sflag:s7] =	ssyncadd.s32 $0xFFFFD800  }
.LBB2_2:
0x14: {  	p0 =	sne.s32 s12, $0x9FC0;
	v1 =	vld [tilespmem:s13+$0x0];
	_ =	sdelay $0x3  }
.Ltmp0:
0x15: {  	(pc) =	sbr.rel @p0 .LBB2_2-.Ltmp0, $2  }
0x16: {  	_ =	sdelay $0x2  }
0x17: {  	s13 =	sshra.s32 s12, $0x2;
	s12 =	sadd.s32 $0x40, s12;
	[tilespmem:v1+s8+$0x0] =	vst.idx.add.f32.msk $0xffff, v0  }
0x18: {  	v1 =	vld [tilespmem:s13+$0x0];
	_ =	sdelay $0x5  }
0x19: {  	s11 =	sadd.s32 $0x1, s11  }
0x1a: {  	p0 =	sne.s32 s11, s6  }
.Ltmp1:
0x1b: {  	[tilespmem:v1+s8+$0x0] =	vst.idx.add.f32.msk $0xffff, v0;
	(pc) =	sbr.rel @p0 .LBB2_1-.Ltmp1, $4  }
0x1c: {  	[hbm4b:s5+s9] =	stream.strided.scatter [tilespmem:s8], [sflag:$0x1], $0x2800, s10, s9, $0x38;
	[tilespmem:$0x5000] =	vst v63  }
0x1d: {  	_ =	swait.ge [sflag:s7], $0x2800  }
0x1e: {  	[sflag:s7] =	ssyncset.done $0x0  }
0x1f: {  	[sflag:s7] =	ssyncadd.s32 $0xFFFFD800  }
0x20: {  	_ =	sfence.sel $0x180000  }
0x21: {  	[bflag:$0x0] =	sbarrier.arrive $0xFFFF  }
0x22: {  	p0 =	sne.s32 s0, $0x0;
	_ =	strace $0x90000047  }
0x23: {  	s0 =	sadd.s32 @!p0 $0x100000, s1;
	[bflag:$0x2] =	sbarrier.arrive $0xFFFF  }
0x24: {  	[sflag:s0] =	ssyncadd.tile.s32 @!p0 $0x1;
	_ =	shalt  }
.Lfunc_end2:
_tile_overlayer_lowered:
.L_overlay_start_2:
0x25: {  	(tag) =	ssettag $0x2  }
0x26: {  	s0 =	rddreg [dreg:$0x0];
	s2 =	stileid.u32  }
0x27: {  	s1 =	rddreg [dreg:$0x1];
	p0 =	sne.s32 s2, $0x0  }
0x28: {  	s3 =	rddreg [dreg:$0x2];
	[bflag:$0x3] =	sbarrier.arrive $0xFFFF;
	s2 =	simm.s32 @!p0 $0x1C01  }
0x29: {  	[timem:s3], [sflag:s2] =	dma.local @!p0 [hbm:s0], s1  }
0x2a: {  	s0 =	simm.s32 @!p0 $0x1  }
0x2b: {  	_ =	swait.ge @!p0 [sflag:s0], s1  }
0x2c: {  	s1 =	ssub.s32 @!p0 $0x0, s1;
	[sflag:s0] =	ssyncset.done @!p0 $0x0  }
0x2d: {  	[sflag:s0] =	ssyncadd.s32 @!p0 s1  }
0x2e: {  	[bflag:$0x3] =	sbarrier.arrive $0xFFFF  }
0x2f: {  	_ =	shalt  }

</sc_bundles>
